<compile_context>
chip_gen: v7x
topology: tpu7x:2x2x1
jax: 0.10.2.dev20260603
libtpu: 0.0.44.dev20260713+nightly
codegen_flags: <defaults>
</compile_context>

<pallas_src>
import jax
import jax.numpy as jnp
from jax import lax
from jax.experimental import pallas as pl
from jax.experimental.pallas import tpu as pltpu
from jax.experimental.pallas import tpu_sc as plsc

N = 10000
E = 320000
D_IN = 128
D_OUT = 9
L = 16

NC = 2
NS = 16
NW = NC * NS
CH = 125
NCHUNK = 80
N_PAD = 10112
RPT = N_PAD // NS
NPK = N_PAD * L // 128



PKB = 128 // L


def _proj_body(x_ref, wl_ref, wr_ref, bl_ref, si_ref, di_ref,
               y_ref, z_ref, so_ref, do_ref):
    f32 = jnp.float32
    x = x_ref[...]
    wl = wl_ref[...]
    wr = wr_ref[...]
    bl = bl_ref[...]
    col = lax.broadcasted_iota(jnp.int32, (NPK, L), 1)
    tail = jnp.zeros((NPK * PKB - N, D_IN), f32)
    for k in range(PKB):
        if k < PKB - 1:
            xk = x[NPK * k:NPK * (k + 1)]
        else:
            xk = jnp.concatenate([x[NPK * k:N], tail], 0)
        yk = jnp.dot(xk, wl, preferred_element_type=f32)
        y_ref[:, L * k:L * (k + 1)] = jnp.where(col == L - 1, 1.0, yk)
        z_ref[:, L * k:L * (k + 1)] = (
            jnp.dot(xk, wr, preferred_element_type=f32) + bl)
    s = si_ref[...]
    ks = s // NPK
    so_ref[...] = (s - ks * NPK) * PKB + ks
    d = di_ref[...]
    kd = d // NPK
    do_ref[...] = (d - kd * NPK) * PKB + kd


NBUF = 4


def _sc_body(y_hbm, src_hbm, dst_hbm, zero_hbm, out_hbm,
             src_v, dst_v, bufs, y_s, acc_s, gsems, ssems):
    cid = lax.axis_index("c")
    sid = lax.axis_index("s")
    tid = cid * NS + sid

    row_sl = pl.ds(sid * RPT, RPT)
    pltpu.async_copy(zero_hbm.at[row_sl], acc_s.at[row_sl], gsems[0])
    pltpu.async_copy(y_hbm.at[row_sl], y_s.at[row_sl], gsems[1])
    pltpu.async_copy(src_hbm.at[tid], src_v, gsems[2])
    pltpu.async_copy(dst_hbm.at[tid], dst_v, gsems[3])
    pltpu.make_async_copy(zero_hbm.at[row_sl], acc_s.at[row_sl], gsems[0]).wait()
    pltpu.make_async_copy(y_hbm.at[row_sl], y_s.at[row_sl], gsems[1]).wait()
    pltpu.make_async_copy(src_hbm.at[tid], src_v, gsems[2]).wait()
    pltpu.make_async_copy(dst_hbm.at[tid], dst_v, gsems[3]).wait()
    plsc.subcore_barrier()

    def gather(j, b):
        pltpu.async_copy(y_s.at[src_v.at[j]], bufs[b], gsems[b])

    def wait_gather(j, b):
        pltpu.make_async_copy(y_s.at[src_v.at[j]], bufs[b], gsems[b]).wait()

    def scatter(j, b):
        return pltpu.async_copy(bufs[b], acc_s.at[dst_v.at[j]], ssems[b],
                                add=True)

    for b in range(NBUF):
        gather(b, b)

    def body(i, carry):
        descs = []
        for b in range(NBUF):
            j = NBUF * i + b
            wait_gather(j, b)
            descs.append(scatter(j, b))
        for b in range(NBUF):
            descs[b].wait()
            gather(NBUF * i + NBUF + b, b)
        return carry

    lax.fori_loop(0, NCHUNK // NBUF - 1, body, 0)
    tail = []
    for b in range(NBUF):
        j = NCHUNK - NBUF + b
        wait_gather(j, b)
        tail.append(scatter(j, b))
    for d in tail:
        d.wait()
    plsc.subcore_barrier()
    pltpu.sync_copy(acc_s.at[pl.ds(sid * RPT, RPT)],
                    out_hbm.at[cid, pl.ds(sid * RPT, RPT)])


def _fin_body(p_ref, z_ref, o_ref):
    f32 = jnp.float32
    p = p_ref[0] + p_ref[1]
    i2 = lax.broadcasted_iota(jnp.int32, (128, 128), 0)
    j2 = lax.broadcasted_iota(jnp.int32, (128, 128), 1)
    jg = (j2 // L) * L
    b_cnt = (i2 == jg + (L - 1)).astype(f32)
    b_head = (i2 == jg).astype(f32)
    b_sum = (i2 // L == j2 // L).astype(f32)
    cnt = jnp.dot(p, b_cnt, preferred_element_type=f32)
    u = p / jnp.maximum(cnt, 1.0) + z_ref[...]
    col = lax.broadcasted_iota(jnp.int32, (NPK, 128), 1)
    u = jnp.where(col % L < D_OUT, u, -jnp.inf)
    v = u
    for s in (1, 2, 4, 8):
        v = jnp.maximum(v, pltpu.roll(v, 128 - s, 1))
    m = jnp.dot(v, b_head, preferred_element_type=f32)
    e = jnp.exp(u - m)
    lse = jnp.log(jnp.dot(e, b_sum, preferred_element_type=f32)) + m
    o = u - lse
    for k in range(PKB - 1):
        o_ref[NPK * k:NPK * (k + 1), :] = o[:, L * k:L * k + D_OUT]
    o_ref[NPK * (PKB - 1):N, :] = (
        o[0:N - NPK * (PKB - 1), L * (PKB - 1):L * (PKB - 1) + D_OUT])


def kernel(x, edge_index, W_l, b_l, W_r):
    f32 = jnp.float32
    i32 = jnp.int32
    src_f = edge_index[0].astype(i32).reshape(NW * NCHUNK, CH)
    dst_f = edge_index[1].astype(i32).reshape(NW * NCHUNK, CH)

    wl_pad = jnp.zeros((D_IN, L), f32).at[:, :D_OUT].set(W_l)
    wr_pad = jnp.zeros((D_IN, L), f32).at[:, :D_OUT].set(W_r)
    bl_pad = jnp.zeros((1, L), f32).at[0, :D_OUT].set(b_l)

    y_pk, z_pk, src_t, dst_t = pl.pallas_call(
        _proj_body,
        out_shape=[jax.ShapeDtypeStruct((NPK, 128), f32),
                   jax.ShapeDtypeStruct((NPK, 128), f32),
                   jax.ShapeDtypeStruct((NW * NCHUNK, CH), i32),
                   jax.ShapeDtypeStruct((NW * NCHUNK, CH), i32)],
    )(x, wl_pad, wr_pad, bl_pad, src_f, dst_f)
    src_g = src_t.reshape(NW, NCHUNK, CH)
    dst_g = dst_t.reshape(NW, NCHUNK, CH)

    sc_call = pl.kernel(
        _sc_body,
        out_type=jax.ShapeDtypeStruct((NC, N_PAD, L), f32),
        mesh=plsc.VectorSubcoreMesh(core_axis_name="c", subcore_axis_name="s"),
        compiler_params=pltpu.CompilerParams(use_tc_tiling_on_sc=False),
        scratch_types=[
            pltpu.VMEM((NCHUNK, CH), jnp.int32),
            pltpu.VMEM((NCHUNK, CH), jnp.int32),
            [pltpu.VMEM((CH, L), f32)] * NBUF,
            pltpu.VMEM_SHARED((N_PAD, L), f32),
            pltpu.VMEM_SHARED((N_PAD, L), f32),
            [pltpu.SemaphoreType.DMA] * NBUF,
            [pltpu.SemaphoreType.DMA] * NBUF,
        ],
    )
    partials = sc_call(y_pk.reshape(N_PAD, L), src_g, dst_g,
                       jnp.zeros((N_PAD, L), f32))

    return pl.pallas_call(
        _fin_body,
        out_shape=jax.ShapeDtypeStruct((N, D_OUT), f32),
    )(partials.reshape(NC, NPK, 128), z_pk)

# --- scband reference (transcript-rebuilt; emitter-appended) ---
"""Pipeline reference for scband-graph-sagemodel-82532091560100 (READ-ONLY COPY).

The authoritative reference and input builder live on the scoring server;
editing this copy changes nothing except your own understanding.
"""

import jax, jax.numpy as jnp
import numpy as np

N_NODES = 10000
N_EDGES = 320000
D_IN = 128
D_OUT = 9

def setup_inputs(seed: int = 0) -> dict:
    key = jax.random.key(seed)
    k1, k2, k3, k4, k5 = jax.random.split(key, 5)
    x = jax.random.normal(k1, (N_NODES, D_IN), dtype=jnp.float32)
    edge_index = jax.random.randint(k2, (2, N_EDGES), 0, N_NODES, dtype=jnp.int64)
    # SAGEConv params: lin_l (applied to aggregated neighbors, has bias), lin_r (applied to root, no bias)
    s = 1.0 / np.sqrt(D_IN)
    W_l = jax.random.uniform(k3, (D_IN, D_OUT), minval=-s, maxval=s, dtype=jnp.float32)
    b_l = jax.random.uniform(k4, (D_OUT,), minval=-s, maxval=s, dtype=jnp.float32)
    W_r = jax.random.uniform(k5, (D_IN, D_OUT), minval=-s, maxval=s, dtype=jnp.float32)
    return {"x": x, "edge_index": edge_index, "W_l": W_l, "b_l": b_l, "W_r": W_r}

def reference(x, edge_index, W_l, b_l, W_r):
    # SAGEConv with mean aggregation: out = lin_l(mean_{j in N(i)} x_j) + lin_r(x_i)
    src = edge_index[0]
    dst = edge_index[1]
    msgs = jnp.take(x, src, axis=0)
    agg_sum = jax.ops.segment_sum(msgs, dst, num_segments=x.shape[0])
    cnt = jax.ops.segment_sum(jnp.ones((edge_index.shape[1],), dtype=x.dtype), dst, num_segments=x.shape[0])
    agg = agg_sum / jnp.clip(cnt, 1.0, None)[:, None]
    out = agg @ W_l + b_l + x @ W_r
    return jax.nn.log_softmax(out, axis=1)

if __name__ == "__main__":
    import jax
    _d = setup_inputs()
    print(jax.jit(kernel)(*tuple(_d.values())))

</pallas_src>

<mosaic_0001>
#map = affine_map<(d0, d1) -> (0, 0)>
#map1 = affine_map<(d0, d1) -> (0, 0, 0)>
module attributes {stable_mosaic.version = 14 : i64} {
  func.func @_sc_body(%arg0: i32, %arg1: i32, %arg2: memref<10112x16xf32, #tpu.memory_space<hbm>>, %arg3: memref<32x80x125xi32, #tpu.memory_space<hbm>>, %arg4: memref<32x80x125xi32, #tpu.memory_space<hbm>>, %arg5: memref<10112x16xf32, #tpu.memory_space<hbm>>, %arg6: memref<2x10112x16xf32, #tpu.memory_space<hbm>>, %arg7: memref<80x125xi32, #tpu.memory_space<vmem>>, %arg8: memref<80x125xi32, #tpu.memory_space<vmem>>, %arg9: memref<125x16xf32, #tpu.memory_space<vmem>>, %arg10: memref<125x16xf32, #tpu.memory_space<vmem>>, %arg11: memref<125x16xf32, #tpu.memory_space<vmem>>, %arg12: memref<125x16xf32, #tpu.memory_space<vmem>>, %arg13: memref<10112x16xf32, #tpu.memory_space<vmem_shared>>, %arg14: memref<10112x16xf32, #tpu.memory_space<vmem_shared>>, %arg15: memref<!tpu.dma_semaphore, #tpu.memory_space<semaphore_mem>>, %arg16: memref<!tpu.dma_semaphore, #tpu.memory_space<semaphore_mem>>, %arg17: memref<!tpu.dma_semaphore, #tpu.memory_space<semaphore_mem>>, %arg18: memref<!tpu.dma_semaphore, #tpu.memory_space<semaphore_mem>>, %arg19: memref<!tpu.dma_semaphore, #tpu.memory_space<semaphore_mem>>, %arg20: memref<!tpu.dma_semaphore, #tpu.memory_space<semaphore_mem>>, %arg21: memref<!tpu.dma_semaphore, #tpu.memory_space<semaphore_mem>>, %arg22: memref<!tpu.dma_semaphore, #tpu.memory_space<semaphore_mem>>) attributes {dimension_semantics = [#tpu.dimension_semantics<core_parallel>, #tpu.dimension_semantics<subcore_parallel>], iteration_bounds = array<i64: 2, 16>, scalar_prefetch = 0 : i64, scratch_operands = 16 : i64, tpu.core_type = #tpu.core_type<sc_vector_subcore>, window_params = [{transform_indices = #map}, {transform_indices = #map1}, {transform_indices = #map1}, {transform_indices = #map}, {transform_indices = #map1}]} {
    %mul3A = arith.constant 16 : i32
    %mul3A_0 = arith.muli %arg0, %mul3A : i32
    %add3A = arith.addi %mul3A_0, %arg1 : i32
    %mul3A_1 = arith.constant 632 : i32
    %mul3A_2 = arith.muli %arg1, %mul3A_1 : i32
    %dma_start3A = arith.constant 0 : i32
    %dma_start3A_3 = tpu.memref_slice %arg14[%mul3A_2, %dma_start3A] : memref<10112x16xf32, #tpu.memory_space<vmem_shared>> -> memref<632x16xf32, #tpu.memory_space<vmem_shared>>
    %dma_start3A_4 = arith.constant 0 : i32
    %dma_start3A_5 = tpu.memref_slice %arg5[%mul3A_2, %dma_start3A_4] : memref<10112x16xf32, #tpu.memory_space<hbm>> -> memref<632x16xf32, #tpu.memory_space<hbm>>
    tpu.enqueue_dma source(%dma_start3A_5 : memref<632x16xf32, #tpu.memory_space<hbm>>) target(%dma_start3A_3 : memref<632x16xf32, #tpu.memory_space<vmem_shared>>) target_semaphore(%arg15 : memref<!tpu.dma_semaphore, #tpu.memory_space<semaphore_mem>>)
    %dma_start3A_6 = arith.constant 0 : i32
    %dma_start3A_7 = tpu.memref_slice %arg13[%mul3A_2, %dma_start3A_6] : memref<10112x16xf32, #tpu.memory_space<vmem_shared>> -> memref<632x16xf32, #tpu.memory_space<vmem_shared>>
    %dma_start3A_8 = arith.constant 0 : i32
    %dma_start3A_9 = tpu.memref_slice %arg2[%mul3A_2, %dma_start3A_8] : memref<10112x16xf32, #tpu.memory_space<hbm>> -> memref<632x16xf32, #tpu.memory_space<hbm>>
    tpu.enqueue_dma source(%dma_start3A_9 : memref<632x16xf32, #tpu.memory_space<hbm>>) target(%dma_start3A_7 : memref<632x16xf32, #tpu.memory_space<vmem_shared>>) target_semaphore(%arg16 : memref<!tpu.dma_semaphore, #tpu.memory_space<semaphore_mem>>)
    %dma_start3A_10 = arith.constant 0 : i32
    %dma_start3A_11 = arith.constant 0 : i32
    %dma_start3A_12 = tpu.memref_slice %arg3[%add3A, %dma_start3A_10, %dma_start3A_11] : memref<32x80x125xi32, #tpu.memory_space<hbm>> -> memref<1x80x125xi32, #tpu.memory_space<hbm>>
    %dma_start3A_13 = tpu.memref_squeeze %dma_start3A_12 : memref<1x80x125xi32, #tpu.memory_space<hbm>> -> memref<80x125xi32, #tpu.memory_space<hbm>>
    %dma_start3A_14 = arith.constant 0 : i32
    %dma_start3A_15 = arith.constant 0 : i32
    %dma_start3A_16 = tpu.memref_slice %arg3[%add3A, %dma_start3A_14, %dma_start3A_15] : memref<32x80x125xi32, #tpu.memory_space<hbm>> -> memref<1x80x125xi32, #tpu.memory_space<hbm>>
    %dma_start3A_17 = tpu.memref_squeeze %dma_start3A_16 : memref<1x80x125xi32, #tpu.memory_space<hbm>> -> memref<80x125xi32, #tpu.memory_space<hbm>>
    tpu.enqueue_dma source(%dma_start3A_17 : memref<80x125xi32, #tpu.memory_space<hbm>>) target(%arg7 : memref<80x125xi32, #tpu.memory_space<vmem>>) target_semaphore(%arg17 : memref<!tpu.dma_semaphore, #tpu.memory_space<semaphore_mem>>)
    %dma_start3A_18 = arith.constant 0 : i32
    %dma_start3A_19 = arith.constant 0 : i32
    %dma_start3A_20 = tpu.memref_slice %arg4[%add3A, %dma_start3A_18, %dma_start3A_19] : memref<32x80x125xi32, #tpu.memory_space<hbm>> -> memref<1x80x125xi32, #tpu.memory_space<hbm>>
    %dma_start3A_21 = tpu.memref_squeeze %dma_start3A_20 : memref<1x80x125xi32, #tpu.memory_space<hbm>> -> memref<80x125xi32, #tpu.memory_space<hbm>>
    %dma_start3A_22 = arith.constant 0 : i32
    %dma_start3A_23 = arith.constant 0 : i32
    %dma_start3A_24 = tpu.memref_slice %arg4[%add3A, %dma_start3A_22, %dma_start3A_23] : memref<32x80x125xi32, #tpu.memory_space<hbm>> -> memref<1x80x125xi32, #tpu.memory_space<hbm>>
    %dma_start3A_25 = tpu.memref_squeeze %dma_start3A_24 : memref<1x80x125xi32, #tpu.memory_space<hbm>> -> memref<80x125xi32, #tpu.memory_space<hbm>>
    tpu.enqueue_dma source(%dma_start3A_25 : memref<80x125xi32, #tpu.memory_space<hbm>>) target(%arg8 : memref<80x125xi32, #tpu.memory_space<vmem>>) target_semaphore(%arg18 : memref<!tpu.dma_semaphore, #tpu.memory_space<semaphore_mem>>)
    %dma_wait3A = arith.constant 0 : i32
    %dma_wait3A_26 = tpu.memref_slice %arg14[%mul3A_2, %dma_wait3A] : memref<10112x16xf32, #tpu.memory_space<vmem_shared>> -> memref<632x16xf32, #tpu.memory_space<vmem_shared>>
    %dma_wait3A_27 = arith.constant 0 : i32
    %dma_wait3A_28 = tpu.memref_slice %arg5[%mul3A_2, %dma_wait3A_27] : memref<10112x16xf32, #tpu.memory_space<hbm>> -> memref<632x16xf32, #tpu.memory_space<hbm>>
    tpu.wait_dma2 semaphore(%arg15 : memref<!tpu.dma_semaphore, #tpu.memory_space<semaphore_mem>>) src(%dma_wait3A_28 : memref<632x16xf32, #tpu.memory_space<hbm>>) dst(%dma_wait3A_26 : memref<632x16xf32, #tpu.memory_space<vmem_shared>>)
    %dma_wait3A_29 = arith.constant 0 : i32
    %dma_wait3A_30 = tpu.memref_slice %arg13[%mul3A_2, %dma_wait3A_29] : memref<10112x16xf32, #tpu.memory_space<vmem_shared>> -> memref<632x16xf32, #tpu.memory_space<vmem_shared>>
    %dma_wait3A_31 = arith.constant 0 : i32
    %dma_wait3A_32 = tpu.memref_slice %arg2[%mul3A_2, %dma_wait3A_31] : memref<10112x16xf32, #tpu.memory_space<hbm>> -> memref<632x16xf32, #tpu.memory_space<hbm>>
    tpu.wait_dma2 semaphore(%arg16 : memref<!tpu.dma_semaphore, #tpu.memory_space<semaphore_mem>>) src(%dma_wait3A_32 : memref<632x16xf32, #tpu.memory_space<hbm>>) dst(%dma_wait3A_30 : memref<632x16xf32, #tpu.memory_space<vmem_shared>>)
    %dma_wait3A_33 = arith.constant 0 : i32
    %dma_wait3A_34 = arith.constant 0 : i32
    %dma_wait3A_35 = tpu.memref_slice %arg3[%add3A, %dma_wait3A_33, %dma_wait3A_34] : memref<32x80x125xi32, #tpu.memory_space<hbm>> -> memref<1x80x125xi32, #tpu.memory_space<hbm>>
    %dma_wait3A_36 = tpu.memref_squeeze %dma_wait3A_35 : memref<1x80x125xi32, #tpu.memory_space<hbm>> -> memref<80x125xi32, #tpu.memory_space<hbm>>
    %dma_wait3A_37 = arith.constant 0 : i32
    %dma_wait3A_38 = arith.constant 0 : i32
    %dma_wait3A_39 = tpu.memref_slice %arg3[%add3A, %dma_wait3A_37, %dma_wait3A_38] : memref<32x80x125xi32, #tpu.memory_space<hbm>> -> memref<1x80x125xi32, #tpu.memory_space<hbm>>
    %dma_wait3A_40 = tpu.memref_squeeze %dma_wait3A_39 : memref<1x80x125xi32, #tpu.memory_space<hbm>> -> memref<80x125xi32, #tpu.memory_space<hbm>>
    tpu.wait_dma2 semaphore(%arg17 : memref<!tpu.dma_semaphore, #tpu.memory_space<semaphore_mem>>) src(%dma_wait3A_40 : memref<80x125xi32, #tpu.memory_space<hbm>>) dst(%arg7 : memref<80x125xi32, #tpu.memory_space<vmem>>)
    %dma_wait3A_41 = arith.constant 0 : i32
    %dma_wait3A_42 = arith.constant 0 : i32
    %dma_wait3A_43 = tpu.memref_slice %arg4[%add3A, %dma_wait3A_41, %dma_wait3A_42] : memref<32x80x125xi32, #tpu.memory_space<hbm>> -> memref<1x80x125xi32, #tpu.memory_space<hbm>>
    %dma_wait3A_44 = tpu.memref_squeeze %dma_wait3A_43 : memref<1x80x125xi32, #tpu.memory_space<hbm>> -> memref<80x125xi32, #tpu.memory_space<hbm>>
    %dma_wait3A_45 = arith.constant 0 : i32
    %dma_wait3A_46 = arith.constant 0 : i32
    %dma_wait3A_47 = tpu.memref_slice %arg4[%add3A, %dma_wait3A_45, %dma_wait3A_46] : memref<32x80x125xi32, #tpu.memory_space<hbm>> -> memref<1x80x125xi32, #tpu.memory_space<hbm>>
    %dma_wait3A_48 = tpu.memref_squeeze %dma_wait3A_47 : memref<1x80x125xi32, #tpu.memory_space<hbm>> -> memref<80x125xi32, #tpu.memory_space<hbm>>
    tpu.wait_dma2 semaphore(%arg18 : memref<!tpu.dma_semaphore, #tpu.memory_space<semaphore_mem>>) src(%dma_wait3A_48 : memref<80x125xi32, #tpu.memory_space<hbm>>) dst(%arg8 : memref<80x125xi32, #tpu.memory_space<vmem>>)
    %barrier3A = arith.constant 0 : index
    tpu.barrier barrier_id(%barrier3A)
    %dma_start3A_49 = arith.constant 0 : i32
    %dma_start3A_50 = arith.constant 0 : i32
    %dma_start3A_51 = tpu.memref_slice %arg7[%dma_start3A_49, %dma_start3A_50] : memref<80x125xi32, #tpu.memory_space<vmem>> -> memref<1x125xi32, #tpu.memory_space<vmem>>
    %dma_start3A_52 = tpu.memref_squeeze %dma_start3A_51 : memref<1x125xi32, #tpu.memory_space<vmem>> -> memref<125xi32, #tpu.memory_space<vmem>>
    %dma_start3A_53 = arith.constant 0 : i32
    %dma_start3A_54 = arith.constant 0 : i32
    %dma_start3A_55 = tpu.memref_slice %arg13[%dma_start3A_53, %dma_start3A_54] : memref<10112x16xf32, #tpu.memory_space<vmem_shared>> -> memref<10112x16xf32, #tpu.memory_space<vmem_shared>>
    tpu.enqueue_indirect_dma source(%dma_start3A_55 : memref<10112x16xf32, #tpu.memory_space<vmem_shared>>) target(%arg9 : memref<125x16xf32, #tpu.memory_space<vmem>>) offsets(%dma_start3A_52 : memref<125xi32, #tpu.memory_space<vmem>>) semaphore(%arg15 : memref<!tpu.dma_semaphore, #tpu.memory_space<semaphore_mem>>)
    %dma_start3A_56 = arith.constant 1 : i32
    %dma_start3A_57 = arith.constant 0 : i32
    %dma_start3A_58 = tpu.memref_slice %arg7[%dma_start3A_56, %dma_start3A_57] : memref<80x125xi32, #tpu.memory_space<vmem>> -> memref<1x125xi32, #tpu.memory_space<vmem>>
    %dma_start3A_59 = tpu.memref_squeeze %dma_start3A_58 : memref<1x125xi32, #tpu.memory_space<vmem>> -> memref<125xi32, #tpu.memory_space<vmem>>
    %dma_start3A_60 = arith.constant 0 : i32
    %dma_start3A_61 = arith.constant 0 : i32
    %dma_start3A_62 = tpu.memref_slice %arg13[%dma_start3A_60, %dma_start3A_61] : memref<10112x16xf32, #tpu.memory_space<vmem_shared>> -> memref<10112x16xf32, #tpu.memory_space<vmem_shared>>
    tpu.enqueue_indirect_dma source(%dma_start3A_62 : memref<10112x16xf32, #tpu.memory_space<vmem_shared>>) target(%arg10 : memref<125x16xf32, #tpu.memory_space<vmem>>) offsets(%dma_start3A_59 : memref<125xi32, #tpu.memory_space<vmem>>) semaphore(%arg16 : memref<!tpu.dma_semaphore, #tpu.memory_space<semaphore_mem>>)
    %dma_start3A_63 = arith.constant 2 : i32
    %dma_start3A_64 = arith.constant 0 : i32
    %dma_start3A_65 = tpu.memref_slice %arg7[%dma_start3A_63, %dma_start3A_64] : memref<80x125xi32, #tpu.memory_space<vmem>> -> memref<1x125xi32, #tpu.memory_space<vmem>>
    %dma_start3A_66 = tpu.memref_squeeze %dma_start3A_65 : memref<1x125xi32, #tpu.memory_space<vmem>> -> memref<125xi32, #tpu.memory_space<vmem>>
    %dma_start3A_67 = arith.constant 0 : i32
    %dma_start3A_68 = arith.constant 0 : i32
    %dma_start3A_69 = tpu.memref_slice %arg13[%dma_start3A_67, %dma_start3A_68] : memref<10112x16xf32, #tpu.memory_space<vmem_shared>> -> memref<10112x16xf32, #tpu.memory_space<vmem_shared>>
    tpu.enqueue_indirect_dma source(%dma_start3A_69 : memref<10112x16xf32, #tpu.memory_space<vmem_shared>>) target(%arg11 : memref<125x16xf32, #tpu.memory_space<vmem>>) offsets(%dma_start3A_66 : memref<125xi32, #tpu.memory_space<vmem>>) semaphore(%arg17 : memref<!tpu.dma_semaphore, #tpu.memory_space<semaphore_mem>>)
    %dma_start3A_70 = arith.constant 3 : i32
    %dma_start3A_71 = arith.constant 0 : i32
    %dma_start3A_72 = tpu.memref_slice %arg7[%dma_start3A_70, %dma_start3A_71] : memref<80x125xi32, #tpu.memory_space<vmem>> -> memref<1x125xi32, #tpu.memory_space<vmem>>
    %dma_start3A_73 = tpu.memref_squeeze %dma_start3A_72 : memref<1x125xi32, #tpu.memory_space<vmem>> -> memref<125xi32, #tpu.memory_space<vmem>>
    %dma_start3A_74 = arith.constant 0 : i32
    %dma_start3A_75 = arith.constant 0 : i32
    %dma_start3A_76 = tpu.memref_slice %arg13[%dma_start3A_74, %dma_start3A_75] : memref<10112x16xf32, #tpu.memory_space<vmem_shared>> -> memref<10112x16xf32, #tpu.memory_space<vmem_shared>>
    tpu.enqueue_indirect_dma source(%dma_start3A_76 : memref<10112x16xf32, #tpu.memory_space<vmem_shared>>) target(%arg12 : memref<125x16xf32, #tpu.memory_space<vmem>>) offsets(%dma_start3A_73 : memref<125xi32, #tpu.memory_space<vmem>>) semaphore(%arg18 : memref<!tpu.dma_semaphore, #tpu.memory_space<semaphore_mem>>)
    %scan3A = arith.constant 0 : i32
    %scan3A_77 = arith.constant 0 : i32
    %scan3A_78 = arith.constant 19 : i32
    %scan3A_79 = arith.addi %scan3A_77, %scan3A_78 : i32
    %scan3A_80 = arith.constant 1 : i32
    scf.for %scan3A_171 = %scan3A_77 to %scan3A_79 step %scan3A_80  : i32 {
      %mul3A_172 = arith.constant 4 : i32
      %mul3A_173 = arith.muli %mul3A_172, %scan3A_171 : i32
      %add3A_174 = arith.constant 0 : i32
      %add3A_175 = arith.addi %mul3A_173, %add3A_174 : i32
      %dma_wait3A_176 = arith.constant 0 : i32
      %dma_wait3A_177 = tpu.memref_slice %arg7[%add3A_175, %dma_wait3A_176] : memref<80x125xi32, #tpu.memory_space<vmem>> -> memref<1x125xi32, #tpu.memory_space<vmem>>
      %dma_wait3A_178 = tpu.memref_squeeze %dma_wait3A_177 : memref<1x125xi32, #tpu.memory_space<vmem>> -> memref<125xi32, #tpu.memory_space<vmem>>
      %dma_wait3A_179 = arith.constant 0 : i32
      %dma_wait3A_180 = arith.constant 0 : i32
      %dma_wait3A_181 = tpu.memref_slice %arg13[%dma_wait3A_179, %dma_wait3A_180] : memref<10112x16xf32, #tpu.memory_space<vmem_shared>> -> memref<10112x16xf32, #tpu.memory_space<vmem_shared>>
      tpu.wait_indirect_dma semaphore(%arg15 : memref<!tpu.dma_semaphore, #tpu.memory_space<semaphore_mem>>) src(%dma_wait3A_181 : memref<10112x16xf32, #tpu.memory_space<vmem_shared>>) dst(%arg9 : memref<125x16xf32, #tpu.memory_space<vmem>>)
      %dma_start3A_182 = arith.constant 0 : i32
      %dma_start3A_183 = tpu.memref_slice %arg8[%add3A_175, %dma_start3A_182] : memref<80x125xi32, #tpu.memory_space<vmem>> -> memref<1x125xi32, #tpu.memory_space<vmem>>
      %dma_start3A_184 = tpu.memref_squeeze %dma_start3A_183 : memref<1x125xi32, #tpu.memory_space<vmem>> -> memref<125xi32, #tpu.memory_space<vmem>>
      %dma_start3A_185 = arith.constant 0 : i32
      %dma_start3A_186 = arith.constant 0 : i32
      %dma_start3A_187 = tpu.memref_slice %arg14[%dma_start3A_185, %dma_start3A_186] : memref<10112x16xf32, #tpu.memory_space<vmem_shared>> -> memref<10112x16xf32, #tpu.memory_space<vmem_shared>>
      tpu.enqueue_indirect_dma source(%arg9 : memref<125x16xf32, #tpu.memory_space<vmem>>) target(%dma_start3A_187 : memref<10112x16xf32, #tpu.memory_space<vmem_shared>>) offsets(%dma_start3A_184 : memref<125xi32, #tpu.memory_space<vmem>>) semaphore(%arg19 : memref<!tpu.dma_semaphore, #tpu.memory_space<semaphore_mem>>) {add = true}
      %mul3A_188 = arith.constant 4 : i32
      %mul3A_189 = arith.muli %mul3A_188, %scan3A_171 : i32
      %add3A_190 = arith.constant 1 : i32
      %add3A_191 = arith.addi %mul3A_189, %add3A_190 : i32
      %dma_wait3A_192 = arith.constant 0 : i32
      %dma_wait3A_193 = tpu.memref_slice %arg7[%add3A_191, %dma_wait3A_192] : memref<80x125xi32, #tpu.memory_space<vmem>> -> memref<1x125xi32, #tpu.memory_space<vmem>>
      %dma_wait3A_194 = tpu.memref_squeeze %dma_wait3A_193 : memref<1x125xi32, #tpu.memory_space<vmem>> -> memref<125xi32, #tpu.memory_space<vmem>>
      %dma_wait3A_195 = arith.constant 0 : i32
      %dma_wait3A_196 = arith.constant 0 : i32
      %dma_wait3A_197 = tpu.memref_slice %arg13[%dma_wait3A_195, %dma_wait3A_196] : memref<10112x16xf32, #tpu.memory_space<vmem_shared>> -> memref<10112x16xf32, #tpu.memory_space<vmem_shared>>
      tpu.wait_indirect_dma semaphore(%arg16 : memref<!tpu.dma_semaphore, #tpu.memory_space<semaphore_mem>>) src(%dma_wait3A_197 : memref<10112x16xf32, #tpu.memory_space<vmem_shared>>) dst(%arg10 : memref<125x16xf32, #tpu.memory_space<vmem>>)
      %dma_start3A_198 = arith.constant 0 : i32
      %dma_start3A_199 = tpu.memref_slice %arg8[%add3A_191, %dma_start3A_198] : memref<80x125xi32, #tpu.memory_space<vmem>> -> memref<1x125xi32, #tpu.memory_space<vmem>>
      %dma_start3A_200 = tpu.memref_squeeze %dma_start3A_199 : memref<1x125xi32, #tpu.memory_space<vmem>> -> memref<125xi32, #tpu.memory_space<vmem>>
      %dma_start3A_201 = arith.constant 0 : i32
      %dma_start3A_202 = arith.constant 0 : i32
      %dma_start3A_203 = tpu.memref_slice %arg14[%dma_start3A_201, %dma_start3A_202] : memref<10112x16xf32, #tpu.memory_space<vmem_shared>> -> memref<10112x16xf32, #tpu.memory_space<vmem_shared>>
      tpu.enqueue_indirect_dma source(%arg10 : memref<125x16xf32, #tpu.memory_space<vmem>>) target(%dma_start3A_203 : memref<10112x16xf32, #tpu.memory_space<vmem_shared>>) offsets(%dma_start3A_200 : memref<125xi32, #tpu.memory_space<vmem>>) semaphore(%arg20 : memref<!tpu.dma_semaphore, #tpu.memory_space<semaphore_mem>>) {add = true}
      %mul3A_204 = arith.constant 4 : i32
      %mul3A_205 = arith.muli %mul3A_204, %scan3A_171 : i32
      %add3A_206 = arith.constant 2 : i32
      %add3A_207 = arith.addi %mul3A_205, %add3A_206 : i32
      %dma_wait3A_208 = arith.constant 0 : i32
      %dma_wait3A_209 = tpu.memref_slice %arg7[%add3A_207, %dma_wait3A_208] : memref<80x125xi32, #tpu.memory_space<vmem>> -> memref<1x125xi32, #tpu.memory_space<vmem>>
      %dma_wait3A_210 = tpu.memref_squeeze %dma_wait3A_209 : memref<1x125xi32, #tpu.memory_space<vmem>> -> memref<125xi32, #tpu.memory_space<vmem>>
      %dma_wait3A_211 = arith.constant 0 : i32
      %dma_wait3A_212 = arith.constant 0 : i32
      %dma_wait3A_213 = tpu.memref_slice %arg13[%dma_wait3A_211, %dma_wait3A_212] : memref<10112x16xf32, #tpu.memory_space<vmem_shared>> -> memref<10112x16xf32, #tpu.memory_space<vmem_shared>>
      tpu.wait_indirect_dma semaphore(%arg17 : memref<!tpu.dma_semaphore, #tpu.memory_space<semaphore_mem>>) src(%dma_wait3A_213 : memref<10112x16xf32, #tpu.memory_space<vmem_shared>>) dst(%arg11 : memref<125x16xf32, #tpu.memory_space<vmem>>)
      %dma_start3A_214 = arith.constant 0 : i32
      %dma_start3A_215 = tpu.memref_slice %arg8[%add3A_207, %dma_start3A_214] : memref<80x125xi32, #tpu.memory_space<vmem>> -> memref<1x125xi32, #tpu.memory_space<vmem>>
      %dma_start3A_216 = tpu.memref_squeeze %dma_start3A_215 : memref<1x125xi32, #tpu.memory_space<vmem>> -> memref<125xi32, #tpu.memory_space<vmem>>
      %dma_start3A_217 = arith.constant 0 : i32
      %dma_start3A_218 = arith.constant 0 : i32
      %dma_start3A_219 = tpu.memref_slice %arg14[%dma_start3A_217, %dma_start3A_218] : memref<10112x16xf32, #tpu.memory_space<vmem_shared>> -> memref<10112x16xf32, #tpu.memory_space<vmem_shared>>
      tpu.enqueue_indirect_dma source(%arg11 : memref<125x16xf32, #tpu.memory_space<vmem>>) target(%dma_start3A_219 : memref<10112x16xf32, #tpu.memory_space<vmem_shared>>) offsets(%dma_start3A_216 : memref<125xi32, #tpu.memory_space<vmem>>) semaphore(%arg21 : memref<!tpu.dma_semaphore, #tpu.memory_space<semaphore_mem>>) {add = true}
      %mul3A_220 = arith.constant 4 : i32
      %mul3A_221 = arith.muli %mul3A_220, %scan3A_171 : i32
      %add3A_222 = arith.constant 3 : i32
      %add3A_223 = arith.addi %mul3A_221, %add3A_222 : i32
      %dma_wait3A_224 = arith.constant 0 : i32
      %dma_wait3A_225 = tpu.memref_slice %arg7[%add3A_223, %dma_wait3A_224] : memref<80x125xi32, #tpu.memory_space<vmem>> -> memref<1x125xi32, #tpu.memory_space<vmem>>
      %dma_wait3A_226 = tpu.memref_squeeze %dma_wait3A_225 : memref<1x125xi32, #tpu.memory_space<vmem>> -> memref<125xi32, #tpu.memory_space<vmem>>
      %dma_wait3A_227 = arith.constant 0 : i32
      %dma_wait3A_228 = arith.constant 0 : i32
      %dma_wait3A_229 = tpu.memref_slice %arg13[%dma_wait3A_227, %dma_wait3A_228] : memref<10112x16xf32, #tpu.memory_space<vmem_shared>> -> memref<10112x16xf32, #tpu.memory_space<vmem_shared>>
      tpu.wait_indirect_dma semaphore(%arg18 : memref<!tpu.dma_semaphore, #tpu.memory_space<semaphore_mem>>) src(%dma_wait3A_229 : memref<10112x16xf32, #tpu.memory_space<vmem_shared>>) dst(%arg12 : memref<125x16xf32, #tpu.memory_space<vmem>>)
      %dma_start3A_230 = arith.constant 0 : i32
      %dma_start3A_231 = tpu.memref_slice %arg8[%add3A_223, %dma_start3A_230] : memref<80x125xi32, #tpu.memory_space<vmem>> -> memref<1x125xi32, #tpu.memory_space<vmem>>
      %dma_start3A_232 = tpu.memref_squeeze %dma_start3A_231 : memref<1x125xi32, #tpu.memory_space<vmem>> -> memref<125xi32, #tpu.memory_space<vmem>>
      %dma_start3A_233 = arith.constant 0 : i32
      %dma_start3A_234 = arith.constant 0 : i32
      %dma_start3A_235 = tpu.memref_slice %arg14[%dma_start3A_233, %dma_start3A_234] : memref<10112x16xf32, #tpu.memory_space<vmem_shared>> -> memref<10112x16xf32, #tpu.memory_space<vmem_shared>>
      tpu.enqueue_indirect_dma source(%arg12 : memref<125x16xf32, #tpu.memory_space<vmem>>) target(%dma_start3A_235 : memref<10112x16xf32, #tpu.memory_space<vmem_shared>>) offsets(%dma_start3A_232 : memref<125xi32, #tpu.memory_space<vmem>>) semaphore(%arg22 : memref<!tpu.dma_semaphore, #tpu.memory_space<semaphore_mem>>) {add = true}
      %dma_wait3A_236 = arith.constant 0 : i32
      %dma_wait3A_237 = tpu.memref_slice %arg8[%add3A_175, %dma_wait3A_236] : memref<80x125xi32, #tpu.memory_space<vmem>> -> memref<1x125xi32, #tpu.memory_space<vmem>>
      %dma_wait3A_238 = tpu.memref_squeeze %dma_wait3A_237 : memref<1x125xi32, #tpu.memory_space<vmem>> -> memref<125xi32, #tpu.memory_space<vmem>>
      %dma_wait3A_239 = arith.constant 0 : i32
      %dma_wait3A_240 = arith.constant 0 : i32
      %dma_wait3A_241 = tpu.memref_slice %arg14[%dma_wait3A_239, %dma_wait3A_240] : memref<10112x16xf32, #tpu.memory_space<vmem_shared>> -> memref<10112x16xf32, #tpu.memory_space<vmem_shared>>
      tpu.wait_indirect_dma semaphore(%arg19 : memref<!tpu.dma_semaphore, #tpu.memory_space<semaphore_mem>>) src(%arg9 : memref<125x16xf32, #tpu.memory_space<vmem>>) dst(%dma_wait3A_241 : memref<10112x16xf32, #tpu.memory_space<vmem_shared>>)
      %mul3A_242 = arith.constant 4 : i32
      %mul3A_243 = arith.muli %mul3A_242, %scan3A_171 : i32
      %add3A_244 = arith.constant 4 : i32
      %add3A_245 = arith.addi %mul3A_243, %add3A_244 : i32
      %add3A_246 = arith.constant 0 : i32
      %add3A_247 = arith.addi %add3A_245, %add3A_246 : i32
      %dma_start3A_248 = arith.constant 0 : i32
      %dma_start3A_249 = tpu.memref_slice %arg7[%add3A_247, %dma_start3A_248] : memref<80x125xi32, #tpu.memory_space<vmem>> -> memref<1x125xi32, #tpu.memory_space<vmem>>
      %dma_start3A_250 = tpu.memref_squeeze %dma_start3A_249 : memref<1x125xi32, #tpu.memory_space<vmem>> -> memref<125xi32, #tpu.memory_space<vmem>>
      %dma_start3A_251 = arith.constant 0 : i32
      %dma_start3A_252 = arith.constant 0 : i32
      %dma_start3A_253 = tpu.memref_slice %arg13[%dma_start3A_251, %dma_start3A_252] : memref<10112x16xf32, #tpu.memory_space<vmem_shared>> -> memref<10112x16xf32, #tpu.memory_space<vmem_shared>>
      tpu.enqueue_indirect_dma source(%dma_start3A_253 : memref<10112x16xf32, #tpu.memory_space<vmem_shared>>) target(%arg9 : memref<125x16xf32, #tpu.memory_space<vmem>>) offsets(%dma_start3A_250 : memref<125xi32, #tpu.memory_space<vmem>>) semaphore(%arg15 : memref<!tpu.dma_semaphore, #tpu.memory_space<semaphore_mem>>)
      %dma_wait3A_254 = arith.constant 0 : i32
      %dma_wait3A_255 = tpu.memref_slice %arg8[%add3A_191, %dma_wait3A_254] : memref<80x125xi32, #tpu.memory_space<vmem>> -> memref<1x125xi32, #tpu.memory_space<vmem>>
      %dma_wait3A_256 = tpu.memref_squeeze %dma_wait3A_255 : memref<1x125xi32, #tpu.memory_space<vmem>> -> memref<125xi32, #tpu.memory_space<vmem>>
      %dma_wait3A_257 = arith.constant 0 : i32
      %dma_wait3A_258 = arith.constant 0 : i32
      %dma_wait3A_259 = tpu.memref_slice %arg14[%dma_wait3A_257, %dma_wait3A_258] : memref<10112x16xf32, #tpu.memory_space<vmem_shared>> -> memref<10112x16xf32, #tpu.memory_space<vmem_shared>>
      tpu.wait_indirect_dma semaphore(%arg20 : memref<!tpu.dma_semaphore, #tpu.memory_space<semaphore_mem>>) src(%arg10 : memref<125x16xf32, #tpu.memory_space<vmem>>) dst(%dma_wait3A_259 : memref<10112x16xf32, #tpu.memory_space<vmem_shared>>)
      %mul3A_260 = arith.constant 4 : i32
      %mul3A_261 = arith.muli %mul3A_260, %scan3A_171 : i32
      %add3A_262 = arith.constant 4 : i32
      %add3A_263 = arith.addi %mul3A_261, %add3A_262 : i32
      %add3A_264 = arith.constant 1 : i32
      %add3A_265 = arith.addi %add3A_263, %add3A_264 : i32
      %dma_start3A_266 = arith.constant 0 : i32
      %dma_start3A_267 = tpu.memref_slice %arg7[%add3A_265, %dma_start3A_266] : memref<80x125xi32, #tpu.memory_space<vmem>> -> memref<1x125xi32, #tpu.memory_space<vmem>>
      %dma_start3A_268 = tpu.memref_squeeze %dma_start3A_267 : memref<1x125xi32, #tpu.memory_space<vmem>> -> memref<125xi32, #tpu.memory_space<vmem>>
      %dma_start3A_269 = arith.constant 0 : i32
      %dma_start3A_270 = arith.constant 0 : i32
      %dma_start3A_271 = tpu.memref_slice %arg13[%dma_start3A_269, %dma_start3A_270] : memref<10112x16xf32, #tpu.memory_space<vmem_shared>> -> memref<10112x16xf32, #tpu.memory_space<vmem_shared>>
      tpu.enqueue_indirect_dma source(%dma_start3A_271 : memref<10112x16xf32, #tpu.memory_space<vmem_shared>>) target(%arg10 : memref<125x16xf32, #tpu.memory_space<vmem>>) offsets(%dma_start3A_268 : memref<125xi32, #tpu.memory_space<vmem>>) semaphore(%arg16 : memref<!tpu.dma_semaphore, #tpu.memory_space<semaphore_mem>>)
      %dma_wait3A_272 = arith.constant 0 : i32
      %dma_wait3A_273 = tpu.memref_slice %arg8[%add3A_207, %dma_wait3A_272] : memref<80x125xi32, #tpu.memory_space<vmem>> -> memref<1x125xi32, #tpu.memory_space<vmem>>
      %dma_wait3A_274 = tpu.memref_squeeze %dma_wait3A_273 : memref<1x125xi32, #tpu.memory_space<vmem>> -> memref<125xi32, #tpu.memory_space<vmem>>
      %dma_wait3A_275 = arith.constant 0 : i32
      %dma_wait3A_276 = arith.constant 0 : i32
      %dma_wait3A_277 = tpu.memref_slice %arg14[%dma_wait3A_275, %dma_wait3A_276] : memref<10112x16xf32, #tpu.memory_space<vmem_shared>> -> memref<10112x16xf32, #tpu.memory_space<vmem_shared>>
      tpu.wait_indirect_dma semaphore(%arg21 : memref<!tpu.dma_semaphore, #tpu.memory_space<semaphore_mem>>) src(%arg11 : memref<125x16xf32, #tpu.memory_space<vmem>>) dst(%dma_wait3A_277 : memref<10112x16xf32, #tpu.memory_space<vmem_shared>>)
      %mul3A_278 = arith.constant 4 : i32
      %mul3A_279 = arith.muli %mul3A_278, %scan3A_171 : i32
      %add3A_280 = arith.constant 4 : i32
      %add3A_281 = arith.addi %mul3A_279, %add3A_280 : i32
      %add3A_282 = arith.constant 2 : i32
      %add3A_283 = arith.addi %add3A_281, %add3A_282 : i32
      %dma_start3A_284 = arith.constant 0 : i32
      %dma_start3A_285 = tpu.memref_slice %arg7[%add3A_283, %dma_start3A_284] : memref<80x125xi32, #tpu.memory_space<vmem>> -> memref<1x125xi32, #tpu.memory_space<vmem>>
      %dma_start3A_286 = tpu.memref_squeeze %dma_start3A_285 : memref<1x125xi32, #tpu.memory_space<vmem>> -> memref<125xi32, #tpu.memory_space<vmem>>
      %dma_start3A_287 = arith.constant 0 : i32
      %dma_start3A_288 = arith.constant 0 : i32
      %dma_start3A_289 = tpu.memref_slice %arg13[%dma_start3A_287, %dma_start3A_288] : memref<10112x16xf32, #tpu.memory_space<vmem_shared>> -> memref<10112x16xf32, #tpu.memory_space<vmem_shared>>
      tpu.enqueue_indirect_dma source(%dma_start3A_289 : memref<10112x16xf32, #tpu.memory_space<vmem_shared>>) target(%arg11 : memref<125x16xf32, #tpu.memory_space<vmem>>) offsets(%dma_start3A_286 : memref<125xi32, #tpu.memory_space<vmem>>) semaphore(%arg17 : memref<!tpu.dma_semaphore, #tpu.memory_space<semaphore_mem>>)
      %dma_wait3A_290 = arith.constant 0 : i32
      %dma_wait3A_291 = tpu.memref_slice %arg8[%add3A_223, %dma_wait3A_290] : memref<80x125xi32, #tpu.memory_space<vmem>> -> memref<1x125xi32, #tpu.memory_space<vmem>>
      %dma_wait3A_292 = tpu.memref_squeeze %dma_wait3A_291 : memref<1x125xi32, #tpu.memory_space<vmem>> -> memref<125xi32, #tpu.memory_space<vmem>>
      %dma_wait3A_293 = arith.constant 0 : i32
      %dma_wait3A_294 = arith.constant 0 : i32
      %dma_wait3A_295 = tpu.memref_slice %arg14[%dma_wait3A_293, %dma_wait3A_294] : memref<10112x16xf32, #tpu.memory_space<vmem_shared>> -> memref<10112x16xf32, #tpu.memory_space<vmem_shared>>
      tpu.wait_indirect_dma semaphore(%arg22 : memref<!tpu.dma_semaphore, #tpu.memory_space<semaphore_mem>>) src(%arg12 : memref<125x16xf32, #tpu.memory_space<vmem>>) dst(%dma_wait3A_295 : memref<10112x16xf32, #tpu.memory_space<vmem_shared>>)
      %mul3A_296 = arith.constant 4 : i32
      %mul3A_297 = arith.muli %mul3A_296, %scan3A_171 : i32
      %add3A_298 = arith.constant 4 : i32
      %add3A_299 = arith.addi %mul3A_297, %add3A_298 : i32
      %add3A_300 = arith.constant 3 : i32
      %add3A_301 = arith.addi %add3A_299, %add3A_300 : i32
      %dma_start3A_302 = arith.constant 0 : i32
      %dma_start3A_303 = tpu.memref_slice %arg7[%add3A_301, %dma_start3A_302] : memref<80x125xi32, #tpu.memory_space<vmem>> -> memref<1x125xi32, #tpu.memory_space<vmem>>
      %dma_start3A_304 = tpu.memref_squeeze %dma_start3A_303 : memref<1x125xi32, #tpu.memory_space<vmem>> -> memref<125xi32, #tpu.memory_space<vmem>>
      %dma_start3A_305 = arith.constant 0 : i32
      %dma_start3A_306 = arith.constant 0 : i32
      %dma_start3A_307 = tpu.memref_slice %arg13[%dma_start3A_305, %dma_start3A_306] : memref<10112x16xf32, #tpu.memory_space<vmem_shared>> -> memref<10112x16xf32, #tpu.memory_space<vmem_shared>>
      tpu.enqueue_indirect_dma source(%dma_start3A_307 : memref<10112x16xf32, #tpu.memory_space<vmem_shared>>) target(%arg12 : memref<125x16xf32, #tpu.memory_space<vmem>>) offsets(%dma_start3A_304 : memref<125xi32, #tpu.memory_space<vmem>>) semaphore(%arg18 : memref<!tpu.dma_semaphore, #tpu.memory_space<semaphore_mem>>)
    }
    %scan3A_81 = arith.constant 19 : i32
    %dma_wait3A_82 = arith.constant 76 : i32
    %dma_wait3A_83 = arith.constant 0 : i32
    %dma_wait3A_84 = tpu.memref_slice %arg7[%dma_wait3A_82, %dma_wait3A_83] : memref<80x125xi32, #tpu.memory_space<vmem>> -> memref<1x125xi32, #tpu.memory_space<vmem>>
    %dma_wait3A_85 = tpu.memref_squeeze %dma_wait3A_84 : memref<1x125xi32, #tpu.memory_space<vmem>> -> memref<125xi32, #tpu.memory_space<vmem>>
    %dma_wait3A_86 = arith.constant 0 : i32
    %dma_wait3A_87 = arith.constant 0 : i32
    %dma_wait3A_88 = tpu.memref_slice %arg13[%dma_wait3A_86, %dma_wait3A_87] : memref<10112x16xf32, #tpu.memory_space<vmem_shared>> -> memref<10112x16xf32, #tpu.memory_space<vmem_shared>>
    tpu.wait_indirect_dma semaphore(%arg15 : memref<!tpu.dma_semaphore, #tpu.memory_space<semaphore_mem>>) src(%dma_wait3A_88 : memref<10112x16xf32, #tpu.memory_space<vmem_shared>>) dst(%arg9 : memref<125x16xf32, #tpu.memory_space<vmem>>)
    %dma_start3A_89 = arith.constant 76 : i32
    %dma_start3A_90 = arith.constant 0 : i32
    %dma_start3A_91 = tpu.memref_slice %arg8[%dma_start3A_89, %dma_start3A_90] : memref<80x125xi32, #tpu.memory_space<vmem>> -> memref<1x125xi32, #tpu.memory_space<vmem>>
    %dma_start3A_92 = tpu.memref_squeeze %dma_start3A_91 : memref<1x125xi32, #tpu.memory_space<vmem>> -> memref<125xi32, #tpu.memory_space<vmem>>
    %dma_start3A_93 = arith.constant 0 : i32
    %dma_start3A_94 = arith.constant 0 : i32
    %dma_start3A_95 = tpu.memref_slice %arg14[%dma_start3A_93, %dma_start3A_94] : memref<10112x16xf32, #tpu.memory_space<vmem_shared>> -> memref<10112x16xf32, #tpu.memory_space<vmem_shared>>
    tpu.enqueue_indirect_dma source(%arg9 : memref<125x16xf32, #tpu.memory_space<vmem>>) target(%dma_start3A_95 : memref<10112x16xf32, #tpu.memory_space<vmem_shared>>) offsets(%dma_start3A_92 : memref<125xi32, #tpu.memory_space<vmem>>) semaphore(%arg19 : memref<!tpu.dma_semaphore, #tpu.memory_space<semaphore_mem>>) {add = true}
    %dma_wait3A_96 = arith.constant 77 : i32
    %dma_wait3A_97 = arith.constant 0 : i32
    %dma_wait3A_98 = tpu.memref_slice %arg7[%dma_wait3A_96, %dma_wait3A_97] : memref<80x125xi32, #tpu.memory_space<vmem>> -> memref<1x125xi32, #tpu.memory_space<vmem>>
    %dma_wait3A_99 = tpu.memref_squeeze %dma_wait3A_98 : memref<1x125xi32, #tpu.memory_space<vmem>> -> memref<125xi32, #tpu.memory_space<vmem>>
    %dma_wait3A_100 = arith.constant 0 : i32
    %dma_wait3A_101 = arith.constant 0 : i32
    %dma_wait3A_102 = tpu.memref_slice %arg13[%dma_wait3A_100, %dma_wait3A_101] : memref<10112x16xf32, #tpu.memory_space<vmem_shared>> -> memref<10112x16xf32, #tpu.memory_space<vmem_shared>>
    tpu.wait_indirect_dma semaphore(%arg16 : memref<!tpu.dma_semaphore, #tpu.memory_space<semaphore_mem>>) src(%dma_wait3A_102 : memref<10112x16xf32, #tpu.memory_space<vmem_shared>>) dst(%arg10 : memref<125x16xf32, #tpu.memory_space<vmem>>)
    %dma_start3A_103 = arith.constant 77 : i32
    %dma_start3A_104 = arith.constant 0 : i32
    %dma_start3A_105 = tpu.memref_slice %arg8[%dma_start3A_103, %dma_start3A_104] : memref<80x125xi32, #tpu.memory_space<vmem>> -> memref<1x125xi32, #tpu.memory_space<vmem>>
    %dma_start3A_106 = tpu.memref_squeeze %dma_start3A_105 : memref<1x125xi32, #tpu.memory_space<vmem>> -> memref<125xi32, #tpu.memory_space<vmem>>
    %dma_start3A_107 = arith.constant 0 : i32
    %dma_start3A_108 = arith.constant 0 : i32
    %dma_start3A_109 = tpu.memref_slice %arg14[%dma_start3A_107, %dma_start3A_108] : memref<10112x16xf32, #tpu.memory_space<vmem_shared>> -> memref<10112x16xf32, #tpu.memory_space<vmem_shared>>
    tpu.enqueue_indirect_dma source(%arg10 : memref<125x16xf32, #tpu.memory_space<vmem>>) target(%dma_start3A_109 : memref<10112x16xf32, #tpu.memory_space<vmem_shared>>) offsets(%dma_start3A_106 : memref<125xi32, #tpu.memory_space<vmem>>) semaphore(%arg20 : memref<!tpu.dma_semaphore, #tpu.memory_space<semaphore_mem>>) {add = true}
    %dma_wait3A_110 = arith.constant 78 : i32
    %dma_wait3A_111 = arith.constant 0 : i32
    %dma_wait3A_112 = tpu.memref_slice %arg7[%dma_wait3A_110, %dma_wait3A_111] : memref<80x125xi32, #tpu.memory_space<vmem>> -> memref<1x125xi32, #tpu.memory_space<vmem>>
    %dma_wait3A_113 = tpu.memref_squeeze %dma_wait3A_112 : memref<1x125xi32, #tpu.memory_space<vmem>> -> memref<125xi32, #tpu.memory_space<vmem>>
    %dma_wait3A_114 = arith.constant 0 : i32
    %dma_wait3A_115 = arith.constant 0 : i32
    %dma_wait3A_116 = tpu.memref_slice %arg13[%dma_wait3A_114, %dma_wait3A_115] : memref<10112x16xf32, #tpu.memory_space<vmem_shared>> -> memref<10112x16xf32, #tpu.memory_space<vmem_shared>>
    tpu.wait_indirect_dma semaphore(%arg17 : memref<!tpu.dma_semaphore, #tpu.memory_space<semaphore_mem>>) src(%dma_wait3A_116 : memref<10112x16xf32, #tpu.memory_space<vmem_shared>>) dst(%arg11 : memref<125x16xf32, #tpu.memory_space<vmem>>)
    %dma_start3A_117 = arith.constant 78 : i32
    %dma_start3A_118 = arith.constant 0 : i32
    %dma_start3A_119 = tpu.memref_slice %arg8[%dma_start3A_117, %dma_start3A_118] : memref<80x125xi32, #tpu.memory_space<vmem>> -> memref<1x125xi32, #tpu.memory_space<vmem>>
    %dma_start3A_120 = tpu.memref_squeeze %dma_start3A_119 : memref<1x125xi32, #tpu.memory_space<vmem>> -> memref<125xi32, #tpu.memory_space<vmem>>
    %dma_start3A_121 = arith.constant 0 : i32
    %dma_start3A_122 = arith.constant 0 : i32
    %dma_start3A_123 = tpu.memref_slice %arg14[%dma_start3A_121, %dma_start3A_122] : memref<10112x16xf32, #tpu.memory_space<vmem_shared>> -> memref<10112x16xf32, #tpu.memory_space<vmem_shared>>
    tpu.enqueue_indirect_dma source(%arg11 : memref<125x16xf32, #tpu.memory_space<vmem>>) target(%dma_start3A_123 : memref<10112x16xf32, #tpu.memory_space<vmem_shared>>) offsets(%dma_start3A_120 : memref<125xi32, #tpu.memory_space<vmem>>) semaphore(%arg21 : memref<!tpu.dma_semaphore, #tpu.memory_space<semaphore_mem>>) {add = true}
    %dma_wait3A_124 = arith.constant 79 : i32
    %dma_wait3A_125 = arith.constant 0 : i32
    %dma_wait3A_126 = tpu.memref_slice %arg7[%dma_wait3A_124, %dma_wait3A_125] : memref<80x125xi32, #tpu.memory_space<vmem>> -> memref<1x125xi32, #tpu.memory_space<vmem>>
    %dma_wait3A_127 = tpu.memref_squeeze %dma_wait3A_126 : memref<1x125xi32, #tpu.memory_space<vmem>> -> memref<125xi32, #tpu.memory_space<vmem>>
    %dma_wait3A_128 = arith.constant 0 : i32
    %dma_wait3A_129 = arith.constant 0 : i32
    %dma_wait3A_130 = tpu.memref_slice %arg13[%dma_wait3A_128, %dma_wait3A_129] : memref<10112x16xf32, #tpu.memory_space<vmem_shared>> -> memref<10112x16xf32, #tpu.memory_space<vmem_shared>>
    tpu.wait_indirect_dma semaphore(%arg18 : memref<!tpu.dma_semaphore, #tpu.memory_space<semaphore_mem>>) src(%dma_wait3A_130 : memref<10112x16xf32, #tpu.memory_space<vmem_shared>>) dst(%arg12 : memref<125x16xf32, #tpu.memory_space<vmem>>)
    %dma_start3A_131 = arith.constant 79 : i32
    %dma_start3A_132 = arith.constant 0 : i32
    %dma_start3A_133 = tpu.memref_slice %arg8[%dma_start3A_131, %dma_start3A_132] : memref<80x125xi32, #tpu.memory_space<vmem>> -> memref<1x125xi32, #tpu.memory_space<vmem>>
    %dma_start3A_134 = tpu.memref_squeeze %dma_start3A_133 : memref<1x125xi32, #tpu.memory_space<vmem>> -> memref<125xi32, #tpu.memory_space<vmem>>
    %dma_start3A_135 = arith.constant 0 : i32
    %dma_start3A_136 = arith.constant 0 : i32
    %dma_start3A_137 = tpu.memref_slice %arg14[%dma_start3A_135, %dma_start3A_136] : memref<10112x16xf32, #tpu.memory_space<vmem_shared>> -> memref<10112x16xf32, #tpu.memory_space<vmem_shared>>
    tpu.enqueue_indirect_dma source(%arg12 : memref<125x16xf32, #tpu.memory_space<vmem>>) target(%dma_start3A_137 : memref<10112x16xf32, #tpu.memory_space<vmem_shared>>) offsets(%dma_start3A_134 : memref<125xi32, #tpu.memory_space<vmem>>) semaphore(%arg22 : memref<!tpu.dma_semaphore, #tpu.memory_space<semaphore_mem>>) {add = true}
    %dma_wait3A_138 = arith.constant 76 : i32
    %dma_wait3A_139 = arith.constant 0 : i32
    %dma_wait3A_140 = tpu.memref_slice %arg8[%dma_wait3A_138, %dma_wait3A_139] : memref<80x125xi32, #tpu.memory_space<vmem>> -> memref<1x125xi32, #tpu.memory_space<vmem>>
    %dma_wait3A_141 = tpu.memref_squeeze %dma_wait3A_140 : memref<1x125xi32, #tpu.memory_space<vmem>> -> memref<125xi32, #tpu.memory_space<vmem>>
    %dma_wait3A_142 = arith.constant 0 : i32
    %dma_wait3A_143 = arith.constant 0 : i32
    %dma_wait3A_144 = tpu.memref_slice %arg14[%dma_wait3A_142, %dma_wait3A_143] : memref<10112x16xf32, #tpu.memory_space<vmem_shared>> -> memref<10112x16xf32, #tpu.memory_space<vmem_shared>>
    tpu.wait_indirect_dma semaphore(%arg19 : memref<!tpu.dma_semaphore, #tpu.memory_space<semaphore_mem>>) src(%arg9 : memref<125x16xf32, #tpu.memory_space<vmem>>) dst(%dma_wait3A_144 : memref<10112x16xf32, #tpu.memory_space<vmem_shared>>)
    %dma_wait3A_145 = arith.constant 77 : i32
    %dma_wait3A_146 = arith.constant 0 : i32
    %dma_wait3A_147 = tpu.memref_slice %arg8[%dma_wait3A_145, %dma_wait3A_146] : memref<80x125xi32, #tpu.memory_space<vmem>> -> memref<1x125xi32, #tpu.memory_space<vmem>>
    %dma_wait3A_148 = tpu.memref_squeeze %dma_wait3A_147 : memref<1x125xi32, #tpu.memory_space<vmem>> -> memref<125xi32, #tpu.memory_space<vmem>>
    %dma_wait3A_149 = arith.constant 0 : i32
    %dma_wait3A_150 = arith.constant 0 : i32
    %dma_wait3A_151 = tpu.memref_slice %arg14[%dma_wait3A_149, %dma_wait3A_150] : memref<10112x16xf32, #tpu.memory_space<vmem_shared>> -> memref<10112x16xf32, #tpu.memory_space<vmem_shared>>
    tpu.wait_indirect_dma semaphore(%arg20 : memref<!tpu.dma_semaphore, #tpu.memory_space<semaphore_mem>>) src(%arg10 : memref<125x16xf32, #tpu.memory_space<vmem>>) dst(%dma_wait3A_151 : memref<10112x16xf32, #tpu.memory_space<vmem_shared>>)
    %dma_wait3A_152 = arith.constant 78 : i32
    %dma_wait3A_153 = arith.constant 0 : i32
    %dma_wait3A_154 = tpu.memref_slice %arg8[%dma_wait3A_152, %dma_wait3A_153] : memref<80x125xi32, #tpu.memory_space<vmem>> -> memref<1x125xi32, #tpu.memory_space<vmem>>
    %dma_wait3A_155 = tpu.memref_squeeze %dma_wait3A_154 : memref<1x125xi32, #tpu.memory_space<vmem>> -> memref<125xi32, #tpu.memory_space<vmem>>
    %dma_wait3A_156 = arith.constant 0 : i32
    %dma_wait3A_157 = arith.constant 0 : i32
    %dma_wait3A_158 = tpu.memref_slice %arg14[%dma_wait3A_156, %dma_wait3A_157] : memref<10112x16xf32, #tpu.memory_space<vmem_shared>> -> memref<10112x16xf32, #tpu.memory_space<vmem_shared>>
    tpu.wait_indirect_dma semaphore(%arg21 : memref<!tpu.dma_semaphore, #tpu.memory_space<semaphore_mem>>) src(%arg11 : memref<125x16xf32, #tpu.memory_space<vmem>>) dst(%dma_wait3A_158 : memref<10112x16xf32, #tpu.memory_space<vmem_shared>>)
    %dma_wait3A_159 = arith.constant 79 : i32
    %dma_wait3A_160 = arith.constant 0 : i32
    %dma_wait3A_161 = tpu.memref_slice %arg8[%dma_wait3A_159, %dma_wait3A_160] : memref<80x125xi32, #tpu.memory_space<vmem>> -> memref<1x125xi32, #tpu.memory_space<vmem>>
    %dma_wait3A_162 = tpu.memref_squeeze %dma_wait3A_161 : memref<1x125xi32, #tpu.memory_space<vmem>> -> memref<125xi32, #tpu.memory_space<vmem>>
    %dma_wait3A_163 = arith.constant 0 : i32
    %dma_wait3A_164 = arith.constant 0 : i32
    %dma_wait3A_165 = tpu.memref_slice %arg14[%dma_wait3A_163, %dma_wait3A_164] : memref<10112x16xf32, #tpu.memory_space<vmem_shared>> -> memref<10112x16xf32, #tpu.memory_space<vmem_shared>>
    tpu.wait_indirect_dma semaphore(%arg22 : memref<!tpu.dma_semaphore, #tpu.memory_space<semaphore_mem>>) src(%arg12 : memref<125x16xf32, #tpu.memory_space<vmem>>) dst(%dma_wait3A_165 : memref<10112x16xf32, #tpu.memory_space<vmem_shared>>)
    %barrier3A_166 = arith.constant 0 : index
    tpu.barrier barrier_id(%barrier3A_166)
    %mul3A_167 = arith.constant 632 : i32
    %mul3A_168 = arith.muli %arg1, %mul3A_167 : i32
    %mul3A_169 = arith.constant 632 : i32
    %mul3A_170 = arith.muli %arg1, %mul3A_169 : i32
    "tpu.region"() ({
      %run_scoped3A = tpu.sem_alloc : memref<!tpu.dma_semaphore, #tpu.memory_space<semaphore_mem>>
      %dma_start3A_171 = arith.constant 0 : i32
      %dma_start3A_172 = tpu.memref_slice %arg6[%arg0, %mul3A_170, %dma_start3A_171] : memref<2x10112x16xf32, #tpu.memory_space<hbm>> -> memref<1x632x16xf32, #tpu.memory_space<hbm>>
      %dma_start3A_173 = tpu.memref_squeeze %dma_start3A_172 : memref<1x632x16xf32, #tpu.memory_space<hbm>> -> memref<632x16xf32, #tpu.memory_space<hbm>>
      %dma_start3A_174 = arith.constant 0 : i32
      %dma_start3A_175 = tpu.memref_slice %arg14[%mul3A_168, %dma_start3A_174] : memref<10112x16xf32, #tpu.memory_space<vmem_shared>> -> memref<632x16xf32, #tpu.memory_space<vmem_shared>>
      tpu.enqueue_dma source(%dma_start3A_175 : memref<632x16xf32, #tpu.memory_space<vmem_shared>>) target(%dma_start3A_173 : memref<632x16xf32, #tpu.memory_space<hbm>>) target_semaphore(%run_scoped3A : memref<!tpu.dma_semaphore, #tpu.memory_space<semaphore_mem>>)
      %dma_wait3A_176 = arith.constant 0 : i32
      %dma_wait3A_177 = tpu.memref_slice %arg6[%arg0, %mul3A_170, %dma_wait3A_176] : memref<2x10112x16xf32, #tpu.memory_space<hbm>> -> memref<1x632x16xf32, #tpu.memory_space<hbm>>
      %dma_wait3A_178 = tpu.memref_squeeze %dma_wait3A_177 : memref<1x632x16xf32, #tpu.memory_space<hbm>> -> memref<632x16xf32, #tpu.memory_space<hbm>>
      %dma_wait3A_179 = arith.constant 0 : i32
      %dma_wait3A_180 = tpu.memref_slice %arg14[%mul3A_168, %dma_wait3A_179] : memref<10112x16xf32, #tpu.memory_space<vmem_shared>> -> memref<632x16xf32, #tpu.memory_space<vmem_shared>>
      tpu.wait_dma2 semaphore(%run_scoped3A : memref<!tpu.dma_semaphore, #tpu.memory_space<semaphore_mem>>) src(%dma_wait3A_180 : memref<632x16xf32, #tpu.memory_space<vmem_shared>>) dst(%dma_wait3A_178 : memref<632x16xf32, #tpu.memory_space<hbm>>)
      tpu.yield
    }) : () -> ()
    return
  }
}

module attributes {stable_mosaic.version = 14 : i64} {
  func.func @_proj_body(%arg0: memref<10000x128xf32, #tpu.memory_space<vmem>>, %arg1: memref<128x16xf32, #tpu.memory_space<vmem>>, %arg2: memref<128x16xf32, #tpu.memory_space<vmem>>, %arg3: memref<1x16xf32, #tpu.memory_space<vmem>>, %arg4: memref<2560x125xi32, #tpu.memory_space<vmem>>, %arg5: memref<2560x125xi32, #tpu.memory_space<vmem>>, %arg6: memref<1264x128xf32, #tpu.memory_space<vmem>>, %arg7: memref<1264x128xf32, #tpu.memory_space<vmem>>, %arg8: memref<2560x125xi32, #tpu.memory_space<vmem>>, %arg9: memref<2560x125xi32, #tpu.memory_space<vmem>>) attributes {dimension_semantics = [], scalar_prefetch = 0 : i64, scratch_operands = 0 : i64, tpu.core_type = #tpu.core_type<tc>} {
    %get3A = arith.constant 0 : index
    %get3A_0 = arith.constant 0 : index
    %get3A_1 = vector.load %arg0[%get3A, %get3A_0] : memref<10000x128xf32, #tpu.memory_space<vmem>>, vector<10000x128xf32>
    %get3A_2 = arith.constant 0 : index
    %get3A_3 = arith.constant 0 : index
    %get3A_4 = vector.load %arg1[%get3A_2, %get3A_3] : memref<128x16xf32, #tpu.memory_space<vmem>>, vector<128x16xf32>
    %get3A_5 = arith.constant 0 : index
    %get3A_6 = arith.constant 0 : index
    %get3A_7 = vector.load %arg2[%get3A_5, %get3A_6] : memref<128x16xf32, #tpu.memory_space<vmem>>, vector<128x16xf32>
    %get3A_8 = arith.constant 0 : index
    %get3A_9 = arith.constant 0 : index
    %get3A_10 = vector.load %arg3[%get3A_8, %get3A_9] : memref<1x16xf32, #tpu.memory_space<vmem>>, vector<1x16xf32>
    %iota3A = tpu.iota {dimensions = array<i32: 1>} : vector<1264x16xi32>
    %broadcast_in_dim3A = arith.constant 0.000000e+00 : f32
    %broadcast_in_dim3A_11 = vector.broadcast %broadcast_in_dim3A : f32 to vector<112x128xf32>
    %slice3A = vector.extract_strided_slice %get3A_1 {offsets = [0, 0], sizes = [1264, 128], strides = [1, 1]} : vector<10000x128xf32> to vector<1264x128xf32>
    %dot_general3A = arith.constant dense<0.000000e+00> : vector<1264x16xf32>
    %dot_general3A_12 = tpu.matmul %slice3A, %get3A_4, %dot_general3A {dimension_numbers = #tpu.dot_dimension_numbers<[1], [0], [0], [1], [0, 0, 1, 1], [], []>, transpose_lhs_hint = false} : vector<1264x128xf32>, vector<128x16xf32>, vector<1264x16xf32> -> vector<1264x16xf32>
    %eq3A = arith.constant 15 : i32
    %eq3A_13 = vector.broadcast %eq3A : i32 to vector<1264x16xi32>
    %eq3A_14 = arith.cmpi eq, %iota3A, %eq3A_13 : vector<1264x16xi32>
    %jit3A = arith.constant 1.000000e+00 : f32
    %broadcast_in_dim3A_15 = vector.broadcast %jit3A : f32 to vector<1264x16xf32>
    %select_n3A = arith.select %eq3A_14, %broadcast_in_dim3A_15, %dot_general3A_12 : vector<1264x16xi1>, vector<1264x16xf32>
    %swap3A = arith.constant 0 : index
    %swap3A_16 = arith.constant 0 : index
    %swap3A_17 = vector.load %arg6[%swap3A, %swap3A_16] : memref<1264x128xf32, #tpu.memory_space<vmem>>, vector<1264x16xf32>
    tpu.vector_store %arg6[%swap3A, %swap3A_16], %select_n3A {strides = array<i32>} : memref<1264x128xf32, #tpu.memory_space<vmem>>, vector<1264x16xf32>,
    %dot_general3A_18 = arith.constant dense<0.000000e+00> : vector<1264x16xf32>
    %dot_general3A_19 = tpu.matmul %slice3A, %get3A_7, %dot_general3A_18 {dimension_numbers = #tpu.dot_dimension_numbers<[1], [0], [0], [1], [0, 0, 1, 1], [], []>, transpose_lhs_hint = false} : vector<1264x128xf32>, vector<128x16xf32>, vector<1264x16xf32> -> vector<1264x16xf32>
    %add3A = vector.broadcast %get3A_10 : vector<1x16xf32> to vector<1264x16xf32>
    %add3A_20 = arith.addf %dot_general3A_19, %add3A : vector<1264x16xf32>
    %swap3A_21 = arith.constant 0 : index
    %swap3A_22 = arith.constant 0 : index
    %swap3A_23 = vector.load %arg7[%swap3A_21, %swap3A_22] : memref<1264x128xf32, #tpu.memory_space<vmem>>, vector<1264x16xf32>
    tpu.vector_store %arg7[%swap3A_21, %swap3A_22], %add3A_20 {strides = array<i32>} : memref<1264x128xf32, #tpu.memory_space<vmem>>, vector<1264x16xf32>,
    %slice3A_24 = vector.extract_strided_slice %get3A_1 {offsets = [1264, 0], sizes = [1264, 128], strides = [1, 1]} : vector<10000x128xf32> to vector<1264x128xf32>
    %dot_general3A_25 = arith.constant dense<0.000000e+00> : vector<1264x16xf32>
    %dot_general3A_26 = tpu.matmul %slice3A_24, %get3A_4, %dot_general3A_25 {dimension_numbers = #tpu.dot_dimension_numbers<[1], [0], [0], [1], [0, 0, 1, 1], [], []>, transpose_lhs_hint = false} : vector<1264x128xf32>, vector<128x16xf32>, vector<1264x16xf32> -> vector<1264x16xf32>
    %eq3A_27 = arith.constant 15 : i32
    %eq3A_28 = vector.broadcast %eq3A_27 : i32 to vector<1264x16xi32>
    %eq3A_29 = arith.cmpi eq, %iota3A, %eq3A_28 : vector<1264x16xi32>
    %jit3A_30 = arith.constant 1.000000e+00 : f32
    %broadcast_in_dim3A_31 = vector.broadcast %jit3A_30 : f32 to vector<1264x16xf32>
    %select_n3A_32 = arith.select %eq3A_29, %broadcast_in_dim3A_31, %dot_general3A_26 : vector<1264x16xi1>, vector<1264x16xf32>
    %swap3A_33 = arith.constant 0 : index
    %swap3A_34 = arith.constant 16 : index
    %swap3A_35 = vector.load %arg6[%swap3A_33, %swap3A_34] : memref<1264x128xf32, #tpu.memory_space<vmem>>, vector<1264x16xf32>
    tpu.vector_store %arg6[%swap3A_33, %swap3A_34], %select_n3A_32 {strides = array<i32>} : memref<1264x128xf32, #tpu.memory_space<vmem>>, vector<1264x16xf32>,
    %dot_general3A_36 = arith.constant dense<0.000000e+00> : vector<1264x16xf32>
    %dot_general3A_37 = tpu.matmul %slice3A_24, %get3A_7, %dot_general3A_36 {dimension_numbers = #tpu.dot_dimension_numbers<[1], [0], [0], [1], [0, 0, 1, 1], [], []>, transpose_lhs_hint = false} : vector<1264x128xf32>, vector<128x16xf32>, vector<1264x16xf32> -> vector<1264x16xf32>
    %add3A_38 = vector.broadcast %get3A_10 : vector<1x16xf32> to vector<1264x16xf32>
    %add3A_39 = arith.addf %dot_general3A_37, %add3A_38 : vector<1264x16xf32>
    %swap3A_40 = arith.constant 0 : index
    %swap3A_41 = arith.constant 16 : index
    %swap3A_42 = vector.load %arg7[%swap3A_40, %swap3A_41] : memref<1264x128xf32, #tpu.memory_space<vmem>>, vector<1264x16xf32>
    tpu.vector_store %arg7[%swap3A_40, %swap3A_41], %add3A_39 {strides = array<i32>} : memref<1264x128xf32, #tpu.memory_space<vmem>>, vector<1264x16xf32>,
    %slice3A_43 = vector.extract_strided_slice %get3A_1 {offsets = [2528, 0], sizes = [1264, 128], strides = [1, 1]} : vector<10000x128xf32> to vector<1264x128xf32>
    %dot_general3A_44 = arith.constant dense<0.000000e+00> : vector<1264x16xf32>
    %dot_general3A_45 = tpu.matmul %slice3A_43, %get3A_4, %dot_general3A_44 {dimension_numbers = #tpu.dot_dimension_numbers<[1], [0], [0], [1], [0, 0, 1, 1], [], []>, transpose_lhs_hint = false} : vector<1264x128xf32>, vector<128x16xf32>, vector<1264x16xf32> -> vector<1264x16xf32>
    %eq3A_46 = arith.constant 15 : i32
    %eq3A_47 = vector.broadcast %eq3A_46 : i32 to vector<1264x16xi32>
    %eq3A_48 = arith.cmpi eq, %iota3A, %eq3A_47 : vector<1264x16xi32>
    %jit3A_49 = arith.constant 1.000000e+00 : f32
    %broadcast_in_dim3A_50 = vector.broadcast %jit3A_49 : f32 to vector<1264x16xf32>
    %select_n3A_51 = arith.select %eq3A_48, %broadcast_in_dim3A_50, %dot_general3A_45 : vector<1264x16xi1>, vector<1264x16xf32>
    %swap3A_52 = arith.constant 0 : index
    %swap3A_53 = arith.constant 32 : index
    %swap3A_54 = vector.load %arg6[%swap3A_52, %swap3A_53] : memref<1264x128xf32, #tpu.memory_space<vmem>>, vector<1264x16xf32>
    tpu.vector_store %arg6[%swap3A_52, %swap3A_53], %select_n3A_51 {strides = array<i32>} : memref<1264x128xf32, #tpu.memory_space<vmem>>, vector<1264x16xf32>,
    %dot_general3A_55 = arith.constant dense<0.000000e+00> : vector<1264x16xf32>
    %dot_general3A_56 = tpu.matmul %slice3A_43, %get3A_7, %dot_general3A_55 {dimension_numbers = #tpu.dot_dimension_numbers<[1], [0], [0], [1], [0, 0, 1, 1], [], []>, transpose_lhs_hint = false} : vector<1264x128xf32>, vector<128x16xf32>, vector<1264x16xf32> -> vector<1264x16xf32>
    %add3A_57 = vector.broadcast %get3A_10 : vector<1x16xf32> to vector<1264x16xf32>
    %add3A_58 = arith.addf %dot_general3A_56, %add3A_57 : vector<1264x16xf32>
    %swap3A_59 = arith.constant 0 : index
    %swap3A_60 = arith.constant 32 : index
    %swap3A_61 = vector.load %arg7[%swap3A_59, %swap3A_60] : memref<1264x128xf32, #tpu.memory_space<vmem>>, vector<1264x16xf32>
    tpu.vector_store %arg7[%swap3A_59, %swap3A_60], %add3A_58 {strides = array<i32>} : memref<1264x128xf32, #tpu.memory_space<vmem>>, vector<1264x16xf32>,
    %slice3A_62 = vector.extract_strided_slice %get3A_1 {offsets = [3792, 0], sizes = [1264, 128], strides = [1, 1]} : vector<10000x128xf32> to vector<1264x128xf32>
    %dot_general3A_63 = arith.constant dense<0.000000e+00> : vector<1264x16xf32>
    %dot_general3A_64 = tpu.matmul %slice3A_62, %get3A_4, %dot_general3A_63 {dimension_numbers = #tpu.dot_dimension_numbers<[1], [0], [0], [1], [0, 0, 1, 1], [], []>, transpose_lhs_hint = false} : vector<1264x128xf32>, vector<128x16xf32>, vector<1264x16xf32> -> vector<1264x16xf32>
    %eq3A_65 = arith.constant 15 : i32
    %eq3A_66 = vector.broadcast %eq3A_65 : i32 to vector<1264x16xi32>
    %eq3A_67 = arith.cmpi eq, %iota3A, %eq3A_66 : vector<1264x16xi32>
    %jit3A_68 = arith.constant 1.000000e+00 : f32
    %broadcast_in_dim3A_69 = vector.broadcast %jit3A_68 : f32 to vector<1264x16xf32>
    %select_n3A_70 = arith.select %eq3A_67, %broadcast_in_dim3A_69, %dot_general3A_64 : vector<1264x16xi1>, vector<1264x16xf32>
    %swap3A_71 = arith.constant 0 : index
    %swap3A_72 = arith.constant 48 : index
    %swap3A_73 = vector.load %arg6[%swap3A_71, %swap3A_72] : memref<1264x128xf32, #tpu.memory_space<vmem>>, vector<1264x16xf32>
    tpu.vector_store %arg6[%swap3A_71, %swap3A_72], %select_n3A_70 {strides = array<i32>} : memref<1264x128xf32, #tpu.memory_space<vmem>>, vector<1264x16xf32>,
    %dot_general3A_74 = arith.constant dense<0.000000e+00> : vector<1264x16xf32>
    %dot_general3A_75 = tpu.matmul %slice3A_62, %get3A_7, %dot_general3A_74 {dimension_numbers = #tpu.dot_dimension_numbers<[1], [0], [0], [1], [0, 0, 1, 1], [], []>, transpose_lhs_hint = false} : vector<1264x128xf32>, vector<128x16xf32>, vector<1264x16xf32> -> vector<1264x16xf32>
    %add3A_76 = vector.broadcast %get3A_10 : vector<1x16xf32> to vector<1264x16xf32>
    %add3A_77 = arith.addf %dot_general3A_75, %add3A_76 : vector<1264x16xf32>
    %swap3A_78 = arith.constant 0 : index
    %swap3A_79 = arith.constant 48 : index
    %swap3A_80 = vector.load %arg7[%swap3A_78, %swap3A_79] : memref<1264x128xf32, #tpu.memory_space<vmem>>, vector<1264x16xf32>
    tpu.vector_store %arg7[%swap3A_78, %swap3A_79], %add3A_77 {strides = array<i32>} : memref<1264x128xf32, #tpu.memory_space<vmem>>, vector<1264x16xf32>,
    %slice3A_81 = vector.extract_strided_slice %get3A_1 {offsets = [5056, 0], sizes = [1264, 128], strides = [1, 1]} : vector<10000x128xf32> to vector<1264x128xf32>
    %dot_general3A_82 = arith.constant dense<0.000000e+00> : vector<1264x16xf32>
    %dot_general3A_83 = tpu.matmul %slice3A_81, %get3A_4, %dot_general3A_82 {dimension_numbers = #tpu.dot_dimension_numbers<[1], [0], [0], [1], [0, 0, 1, 1], [], []>, transpose_lhs_hint = false} : vector<1264x128xf32>, vector<128x16xf32>, vector<1264x16xf32> -> vector<1264x16xf32>
    %eq3A_84 = arith.constant 15 : i32
    %eq3A_85 = vector.broadcast %eq3A_84 : i32 to vector<1264x16xi32>
    %eq3A_86 = arith.cmpi eq, %iota3A, %eq3A_85 : vector<1264x16xi32>
    %jit3A_87 = arith.constant 1.000000e+00 : f32
    %broadcast_in_dim3A_88 = vector.broadcast %jit3A_87 : f32 to vector<1264x16xf32>
    %select_n3A_89 = arith.select %eq3A_86, %broadcast_in_dim3A_88, %dot_general3A_83 : vector<1264x16xi1>, vector<1264x16xf32>
    %swap3A_90 = arith.constant 0 : index
    %swap3A_91 = arith.constant 64 : index
    %swap3A_92 = vector.load %arg6[%swap3A_90, %swap3A_91] : memref<1264x128xf32, #tpu.memory_space<vmem>>, vector<1264x16xf32>
    tpu.vector_store %arg6[%swap3A_90, %swap3A_91], %select_n3A_89 {strides = array<i32>} : memref<1264x128xf32, #tpu.memory_space<vmem>>, vector<1264x16xf32>,
    %dot_general3A_93 = arith.constant dense<0.000000e+00> : vector<1264x16xf32>
    %dot_general3A_94 = tpu.matmul %slice3A_81, %get3A_7, %dot_general3A_93 {dimension_numbers = #tpu.dot_dimension_numbers<[1], [0], [0], [1], [0, 0, 1, 1], [], []>, transpose_lhs_hint = false} : vector<1264x128xf32>, vector<128x16xf32>, vector<1264x16xf32> -> vector<1264x16xf32>
    %add3A_95 = vector.broadcast %get3A_10 : vector<1x16xf32> to vector<1264x16xf32>
    %add3A_96 = arith.addf %dot_general3A_94, %add3A_95 : vector<1264x16xf32>
    %swap3A_97 = arith.constant 0 : index
    %swap3A_98 = arith.constant 64 : index
    %swap3A_99 = vector.load %arg7[%swap3A_97, %swap3A_98] : memref<1264x128xf32, #tpu.memory_space<vmem>>, vector<1264x16xf32>
    tpu.vector_store %arg7[%swap3A_97, %swap3A_98], %add3A_96 {strides = array<i32>} : memref<1264x128xf32, #tpu.memory_space<vmem>>, vector<1264x16xf32>,
    %slice3A_100 = vector.extract_strided_slice %get3A_1 {offsets = [6320, 0], sizes = [1264, 128], strides = [1, 1]} : vector<10000x128xf32> to vector<1264x128xf32>
    %dot_general3A_101 = arith.constant dense<0.000000e+00> : vector<1264x16xf32>
    %dot_general3A_102 = tpu.matmul %slice3A_100, %get3A_4, %dot_general3A_101 {dimension_numbers = #tpu.dot_dimension_numbers<[1], [0], [0], [1], [0, 0, 1, 1], [], []>, transpose_lhs_hint = false} : vector<1264x128xf32>, vector<128x16xf32>, vector<1264x16xf32> -> vector<1264x16xf32>
    %eq3A_103 = arith.constant 15 : i32
    %eq3A_104 = vector.broadcast %eq3A_103 : i32 to vector<1264x16xi32>
    %eq3A_105 = arith.cmpi eq, %iota3A, %eq3A_104 : vector<1264x16xi32>
    %jit3A_106 = arith.constant 1.000000e+00 : f32
    %broadcast_in_dim3A_107 = vector.broadcast %jit3A_106 : f32 to vector<1264x16xf32>
    %select_n3A_108 = arith.select %eq3A_105, %broadcast_in_dim3A_107, %dot_general3A_102 : vector<1264x16xi1>, vector<1264x16xf32>
    %swap3A_109 = arith.constant 0 : index
    %swap3A_110 = arith.constant 80 : index
    %swap3A_111 = vector.load %arg6[%swap3A_109, %swap3A_110] : memref<1264x128xf32, #tpu.memory_space<vmem>>, vector<1264x16xf32>
    tpu.vector_store %arg6[%swap3A_109, %swap3A_110], %select_n3A_108 {strides = array<i32>} : memref<1264x128xf32, #tpu.memory_space<vmem>>, vector<1264x16xf32>,
    %dot_general3A_112 = arith.constant dense<0.000000e+00> : vector<1264x16xf32>
    %dot_general3A_113 = tpu.matmul %slice3A_100, %get3A_7, %dot_general3A_112 {dimension_numbers = #tpu.dot_dimension_numbers<[1], [0], [0], [1], [0, 0, 1, 1], [], []>, transpose_lhs_hint = false} : vector<1264x128xf32>, vector<128x16xf32>, vector<1264x16xf32> -> vector<1264x16xf32>
    %add3A_114 = vector.broadcast %get3A_10 : vector<1x16xf32> to vector<1264x16xf32>
    %add3A_115 = arith.addf %dot_general3A_113, %add3A_114 : vector<1264x16xf32>
    %swap3A_116 = arith.constant 0 : index
    %swap3A_117 = arith.constant 80 : index
    %swap3A_118 = vector.load %arg7[%swap3A_116, %swap3A_117] : memref<1264x128xf32, #tpu.memory_space<vmem>>, vector<1264x16xf32>
    tpu.vector_store %arg7[%swap3A_116, %swap3A_117], %add3A_115 {strides = array<i32>} : memref<1264x128xf32, #tpu.memory_space<vmem>>, vector<1264x16xf32>,
    %slice3A_119 = vector.extract_strided_slice %get3A_1 {offsets = [7584, 0], sizes = [1264, 128], strides = [1, 1]} : vector<10000x128xf32> to vector<1264x128xf32>
    %dot_general3A_120 = arith.constant dense<0.000000e+00> : vector<1264x16xf32>
    %dot_general3A_121 = tpu.matmul %slice3A_119, %get3A_4, %dot_general3A_120 {dimension_numbers = #tpu.dot_dimension_numbers<[1], [0], [0], [1], [0, 0, 1, 1], [], []>, transpose_lhs_hint = false} : vector<1264x128xf32>, vector<128x16xf32>, vector<1264x16xf32> -> vector<1264x16xf32>
    %eq3A_122 = arith.constant 15 : i32
    %eq3A_123 = vector.broadcast %eq3A_122 : i32 to vector<1264x16xi32>
    %eq3A_124 = arith.cmpi eq, %iota3A, %eq3A_123 : vector<1264x16xi32>
    %jit3A_125 = arith.constant 1.000000e+00 : f32
    %broadcast_in_dim3A_126 = vector.broadcast %jit3A_125 : f32 to vector<1264x16xf32>
    %select_n3A_127 = arith.select %eq3A_124, %broadcast_in_dim3A_126, %dot_general3A_121 : vector<1264x16xi1>, vector<1264x16xf32>
    %swap3A_128 = arith.constant 0 : index
    %swap3A_129 = arith.constant 96 : index
    %swap3A_130 = vector.load %arg6[%swap3A_128, %swap3A_129] : memref<1264x128xf32, #tpu.memory_space<vmem>>, vector<1264x16xf32>
    tpu.vector_store %arg6[%swap3A_128, %swap3A_129], %select_n3A_127 {strides = array<i32>} : memref<1264x128xf32, #tpu.memory_space<vmem>>, vector<1264x16xf32>,
    %dot_general3A_131 = arith.constant dense<0.000000e+00> : vector<1264x16xf32>
    %dot_general3A_132 = tpu.matmul %slice3A_119, %get3A_7, %dot_general3A_131 {dimension_numbers = #tpu.dot_dimension_numbers<[1], [0], [0], [1], [0, 0, 1, 1], [], []>, transpose_lhs_hint = false} : vector<1264x128xf32>, vector<128x16xf32>, vector<1264x16xf32> -> vector<1264x16xf32>
    %add3A_133 = vector.broadcast %get3A_10 : vector<1x16xf32> to vector<1264x16xf32>
    %add3A_134 = arith.addf %dot_general3A_132, %add3A_133 : vector<1264x16xf32>
    %swap3A_135 = arith.constant 0 : index
    %swap3A_136 = arith.constant 96 : index
    %swap3A_137 = vector.load %arg7[%swap3A_135, %swap3A_136] : memref<1264x128xf32, #tpu.memory_space<vmem>>, vector<1264x16xf32>
    tpu.vector_store %arg7[%swap3A_135, %swap3A_136], %add3A_134 {strides = array<i32>} : memref<1264x128xf32, #tpu.memory_space<vmem>>, vector<1264x16xf32>,
    %slice3A_138 = vector.extract_strided_slice %get3A_1 {offsets = [8848, 0], sizes = [1152, 128], strides = [1, 1]} : vector<10000x128xf32> to vector<1152x128xf32>
    %concatenate3A = tpu.concatenate %slice3A_138, %broadcast_in_dim3A_11 in 0 : vector<1152x128xf32>, vector<112x128xf32> -> vector<1264x128xf32>
    %dot_general3A_139 = arith.constant dense<0.000000e+00> : vector<1264x16xf32>
    %dot_general3A_140 = tpu.matmul %concatenate3A, %get3A_4, %dot_general3A_139 {dimension_numbers = #tpu.dot_dimension_numbers<[1], [0], [0], [1], [0, 0, 1, 1], [], []>, transpose_lhs_hint = false} : vector<1264x128xf32>, vector<128x16xf32>, vector<1264x16xf32> -> vector<1264x16xf32>
    %eq3A_141 = arith.constant 15 : i32
    %eq3A_142 = vector.broadcast %eq3A_141 : i32 to vector<1264x16xi32>
    %eq3A_143 = arith.cmpi eq, %iota3A, %eq3A_142 : vector<1264x16xi32>
    %jit3A_144 = arith.constant 1.000000e+00 : f32
    %broadcast_in_dim3A_145 = vector.broadcast %jit3A_144 : f32 to vector<1264x16xf32>
    %select_n3A_146 = arith.select %eq3A_143, %broadcast_in_dim3A_145, %dot_general3A_140 : vector<1264x16xi1>, vector<1264x16xf32>
    %swap3A_147 = arith.constant 0 : index
    %swap3A_148 = arith.constant 112 : index
    %swap3A_149 = vector.load %arg6[%swap3A_147, %swap3A_148] : memref<1264x128xf32, #tpu.memory_space<vmem>>, vector<1264x16xf32>
    tpu.vector_store %arg6[%swap3A_147, %swap3A_148], %select_n3A_146 {strides = array<i32>} : memref<1264x128xf32, #tpu.memory_space<vmem>>, vector<1264x16xf32>,
    %dot_general3A_150 = arith.constant dense<0.000000e+00> : vector<1264x16xf32>
    %dot_general3A_151 = tpu.matmul %concatenate3A, %get3A_7, %dot_general3A_150 {dimension_numbers = #tpu.dot_dimension_numbers<[1], [0], [0], [1], [0, 0, 1, 1], [], []>, transpose_lhs_hint = false} : vector<1264x128xf32>, vector<128x16xf32>, vector<1264x16xf32> -> vector<1264x16xf32>
    %add3A_152 = vector.broadcast %get3A_10 : vector<1x16xf32> to vector<1264x16xf32>
    %add3A_153 = arith.addf %dot_general3A_151, %add3A_152 : vector<1264x16xf32>
    %swap3A_154 = arith.constant 0 : index
    %swap3A_155 = arith.constant 112 : index
    %swap3A_156 = vector.load %arg7[%swap3A_154, %swap3A_155] : memref<1264x128xf32, #tpu.memory_space<vmem>>, vector<1264x16xf32>
    tpu.vector_store %arg7[%swap3A_154, %swap3A_155], %add3A_153 {strides = array<i32>} : memref<1264x128xf32, #tpu.memory_space<vmem>>, vector<1264x16xf32>,
    %get3A_157 = arith.constant 0 : index
    %get3A_158 = arith.constant 0 : index
    %get3A_159 = vector.load %arg4[%get3A_157, %get3A_158] : memref<2560x125xi32, #tpu.memory_space<vmem>>, vector<2560x125xi32>
    %jit3A_160 = arith.constant 1264 : i32
    %div3A = vector.broadcast %jit3A_160 : i32 to vector<2560x125xi32>
    %div3A_161 = arith.divsi %get3A_159, %div3A : vector<2560x125xi32>
    %sign3A = arith.constant 0 : i32
    %sign3A_162 = vector.broadcast %sign3A : i32 to vector<2560x125xi32>
    %sign3A_163 = arith.cmpi sgt, %get3A_159, %sign3A_162 : vector<2560x125xi32>
    %sign3A_164 = arith.extui %sign3A_163 : vector<2560x125xi1> to vector<2560x125xi32>
    %sign3A_165 = arith.constant 0 : i32
    %sign3A_166 = vector.broadcast %sign3A_165 : i32 to vector<2560x125xi32>
    %sign3A_167 = arith.cmpi slt, %get3A_159, %sign3A_166 : vector<2560x125xi32>
    %sign3A_168 = arith.extui %sign3A_167 : vector<2560x125xi1> to vector<2560x125xi32>
    %sign3A_169 = arith.subi %sign3A_164, %sign3A_168 : vector<2560x125xi32>
    %sign3A_170 = arith.constant 0 : i32
    %sign3A_171 = arith.cmpi sgt, %jit3A_160, %sign3A_170 : i32
    %sign3A_172 = arith.extui %sign3A_171 : i1 to i32
    %sign3A_173 = arith.constant 0 : i32
    %sign3A_174 = arith.cmpi slt, %jit3A_160, %sign3A_173 : i32
    %sign3A_175 = arith.extui %sign3A_174 : i1 to i32
    %sign3A_176 = arith.subi %sign3A_172, %sign3A_175 : i32
    %ne3A = vector.broadcast %sign3A_176 : i32 to vector<2560x125xi32>
    %ne3A_177 = arith.cmpi ne, %sign3A_169, %ne3A : vector<2560x125xi32>
    %rem3A = vector.broadcast %jit3A_160 : i32 to vector<2560x125xi32>
    %rem3A_178 = arith.remsi %get3A_159, %rem3A : vector<2560x125xi32>
    %ne3A_179 = arith.constant 0 : i32
    %ne3A_180 = vector.broadcast %ne3A_179 : i32 to vector<2560x125xi32>
    %ne3A_181 = arith.cmpi ne, %rem3A_178, %ne3A_180 : vector<2560x125xi32>
    %and3A = arith.andi %ne3A_177, %ne3A_181 : vector<2560x125xi1>
    %sub3A = arith.constant 1 : i32
    %sub3A_182 = vector.broadcast %sub3A : i32 to vector<2560x125xi32>
    %sub3A_183 = arith.subi %div3A_161, %sub3A_182 : vector<2560x125xi32>
    %select_n3A_184 = arith.select %and3A, %sub3A_183, %div3A_161 : vector<2560x125xi1>, vector<2560x125xi32>
    %mul3A = arith.constant 1264 : i32
    %mul3A_185 = vector.broadcast %mul3A : i32 to vector<2560x125xi32>
    %mul3A_186 = arith.muli %select_n3A_184, %mul3A_185 : vector<2560x125xi32>
    %sub3A_187 = arith.subi %get3A_159, %mul3A_186 : vector<2560x125xi32>
    %mul3A_188 = arith.constant 8 : i32
    %mul3A_189 = vector.broadcast %mul3A_188 : i32 to vector<2560x125xi32>
    %mul3A_190 = arith.muli %sub3A_187, %mul3A_189 : vector<2560x125xi32>
    %add3A_191 = arith.addi %mul3A_190, %select_n3A_184 : vector<2560x125xi32>
    %swap3A_192 = arith.constant 0 : index
    %swap3A_193 = arith.constant 0 : index
    %swap3A_194 = vector.load %arg8[%swap3A_192, %swap3A_193] : memref<2560x125xi32, #tpu.memory_space<vmem>>, vector<2560x125xi32>
    tpu.vector_store %arg8[%swap3A_192, %swap3A_193], %add3A_191 {strides = array<i32>} : memref<2560x125xi32, #tpu.memory_space<vmem>>, vector<2560x125xi32>,
    %get3A_195 = arith.constant 0 : index
    %get3A_196 = arith.constant 0 : index
    %get3A_197 = vector.load %arg5[%get3A_195, %get3A_196] : memref<2560x125xi32, #tpu.memory_space<vmem>>, vector<2560x125xi32>
    %jit3A_198 = arith.constant 1264 : i32
    %div3A_199 = vector.broadcast %jit3A_198 : i32 to vector<2560x125xi32>
    %div3A_200 = arith.divsi %get3A_197, %div3A_199 : vector<2560x125xi32>
    %sign3A_201 = arith.constant 0 : i32
    %sign3A_202 = vector.broadcast %sign3A_201 : i32 to vector<2560x125xi32>
    %sign3A_203 = arith.cmpi sgt, %get3A_197, %sign3A_202 : vector<2560x125xi32>
    %sign3A_204 = arith.extui %sign3A_203 : vector<2560x125xi1> to vector<2560x125xi32>
    %sign3A_205 = arith.constant 0 : i32
    %sign3A_206 = vector.broadcast %sign3A_205 : i32 to vector<2560x125xi32>
    %sign3A_207 = arith.cmpi slt, %get3A_197, %sign3A_206 : vector<2560x125xi32>
    %sign3A_208 = arith.extui %sign3A_207 : vector<2560x125xi1> to vector<2560x125xi32>
    %sign3A_209 = arith.subi %sign3A_204, %sign3A_208 : vector<2560x125xi32>
    %sign3A_210 = arith.constant 0 : i32
    %sign3A_211 = arith.cmpi sgt, %jit3A_198, %sign3A_210 : i32
    %sign3A_212 = arith.extui %sign3A_211 : i1 to i32
    %sign3A_213 = arith.constant 0 : i32
    %sign3A_214 = arith.cmpi slt, %jit3A_198, %sign3A_213 : i32
    %sign3A_215 = arith.extui %sign3A_214 : i1 to i32
    %sign3A_216 = arith.subi %sign3A_212, %sign3A_215 : i32
    %ne3A_217 = vector.broadcast %sign3A_216 : i32 to vector<2560x125xi32>
    %ne3A_218 = arith.cmpi ne, %sign3A_209, %ne3A_217 : vector<2560x125xi32>
    %rem3A_219 = vector.broadcast %jit3A_198 : i32 to vector<2560x125xi32>
    %rem3A_220 = arith.remsi %get3A_197, %rem3A_219 : vector<2560x125xi32>
    %ne3A_221 = arith.constant 0 : i32
    %ne3A_222 = vector.broadcast %ne3A_221 : i32 to vector<2560x125xi32>
    %ne3A_223 = arith.cmpi ne, %rem3A_220, %ne3A_222 : vector<2560x125xi32>
    %and3A_224 = arith.andi %ne3A_218, %ne3A_223 : vector<2560x125xi1>
    %sub3A_225 = arith.constant 1 : i32
    %sub3A_226 = vector.broadcast %sub3A_225 : i32 to vector<2560x125xi32>
    %sub3A_227 = arith.subi %div3A_200, %sub3A_226 : vector<2560x125xi32>
    %select_n3A_228 = arith.select %and3A_224, %sub3A_227, %div3A_200 : vector<2560x125xi1>, vector<2560x125xi32>
    %mul3A_229 = arith.constant 1264 : i32
    %mul3A_230 = vector.broadcast %mul3A_229 : i32 to vector<2560x125xi32>
    %mul3A_231 = arith.muli %select_n3A_228, %mul3A_230 : vector<2560x125xi32>
    %sub3A_232 = arith.subi %get3A_197, %mul3A_231 : vector<2560x125xi32>
    %mul3A_233 = arith.constant 8 : i32
    %mul3A_234 = vector.broadcast %mul3A_233 : i32 to vector<2560x125xi32>
    %mul3A_235 = arith.muli %sub3A_232, %mul3A_234 : vector<2560x125xi32>
    %add3A_236 = arith.addi %mul3A_235, %select_n3A_228 : vector<2560x125xi32>
    %swap3A_237 = arith.constant 0 : index
    %swap3A_238 = arith.constant 0 : index
    %swap3A_239 = vector.load %arg9[%swap3A_237, %swap3A_238] : memref<2560x125xi32, #tpu.memory_space<vmem>>, vector<2560x125xi32>
    tpu.vector_store %arg9[%swap3A_237, %swap3A_238], %add3A_236 {strides = array<i32>} : memref<2560x125xi32, #tpu.memory_space<vmem>>, vector<2560x125xi32>,
    return
  }
}

module attributes {stable_mosaic.version = 14 : i64} {
  func.func @_fin_body(%arg0: memref<2x1264x128xf32, #tpu.memory_space<vmem>>, %arg1: memref<1264x128xf32, #tpu.memory_space<vmem>>, %arg2: memref<10000x9xf32, #tpu.memory_space<vmem>>) attributes {dimension_semantics = [], scalar_prefetch = 0 : i64, scratch_operands = 0 : i64, tpu.core_type = #tpu.core_type<tc>} {
    %get3A = arith.constant 0 : index
    %get3A_0 = arith.constant 0 : index
    %get3A_1 = arith.constant 0 : index
    %get3A_2 = vector.load %arg0[%get3A, %get3A_0, %get3A_1] : memref<2x1264x128xf32, #tpu.memory_space<vmem>>, vector<1x1264x128xf32>
    %get3A_3 = vector.shape_cast %get3A_2 : vector<1x1264x128xf32> to vector<1264x128xf32>
    %get3A_4 = arith.constant 1 : index
    %get3A_5 = arith.constant 0 : index
    %get3A_6 = arith.constant 0 : index
    %get3A_7 = vector.load %arg0[%get3A_4, %get3A_5, %get3A_6] : memref<2x1264x128xf32, #tpu.memory_space<vmem>>, vector<1x1264x128xf32>
    %get3A_8 = vector.shape_cast %get3A_7 : vector<1x1264x128xf32> to vector<1264x128xf32>
    %add3A = arith.addf %get3A_3, %get3A_8 : vector<1264x128xf32>
    %iota3A = tpu.iota {dimensions = array<i32: 0>} : vector<128x128xi32>
    %iota3A_9 = tpu.iota {dimensions = array<i32: 1>} : vector<128x128xi32>
    %jit3A = arith.constant 16 : i32
    %div3A = vector.broadcast %jit3A : i32 to vector<128x128xi32>
    %div3A_10 = arith.divsi %iota3A_9, %div3A : vector<128x128xi32>
    %sign3A = arith.constant 0 : i32
    %sign3A_11 = vector.broadcast %sign3A : i32 to vector<128x128xi32>
    %sign3A_12 = arith.cmpi sgt, %iota3A_9, %sign3A_11 : vector<128x128xi32>
    %sign3A_13 = arith.extui %sign3A_12 : vector<128x128xi1> to vector<128x128xi32>
    %sign3A_14 = arith.constant 0 : i32
    %sign3A_15 = vector.broadcast %sign3A_14 : i32 to vector<128x128xi32>
    %sign3A_16 = arith.cmpi slt, %iota3A_9, %sign3A_15 : vector<128x128xi32>
    %sign3A_17 = arith.extui %sign3A_16 : vector<128x128xi1> to vector<128x128xi32>
    %sign3A_18 = arith.subi %sign3A_13, %sign3A_17 : vector<128x128xi32>
    %sign3A_19 = arith.constant 0 : i32
    %sign3A_20 = arith.cmpi sgt, %jit3A, %sign3A_19 : i32
    %sign3A_21 = arith.extui %sign3A_20 : i1 to i32
    %sign3A_22 = arith.constant 0 : i32
    %sign3A_23 = arith.cmpi slt, %jit3A, %sign3A_22 : i32
    %sign3A_24 = arith.extui %sign3A_23 : i1 to i32
    %sign3A_25 = arith.subi %sign3A_21, %sign3A_24 : i32
    %ne3A = vector.broadcast %sign3A_25 : i32 to vector<128x128xi32>
    %ne3A_26 = arith.cmpi ne, %sign3A_18, %ne3A : vector<128x128xi32>
    %rem3A = vector.broadcast %jit3A : i32 to vector<128x128xi32>
    %rem3A_27 = arith.remsi %iota3A_9, %rem3A : vector<128x128xi32>
    %ne3A_28 = arith.constant 0 : i32
    %ne3A_29 = vector.broadcast %ne3A_28 : i32 to vector<128x128xi32>
    %ne3A_30 = arith.cmpi ne, %rem3A_27, %ne3A_29 : vector<128x128xi32>
    %and3A = arith.andi %ne3A_26, %ne3A_30 : vector<128x128xi1>
    %sub3A = arith.constant 1 : i32
    %sub3A_31 = vector.broadcast %sub3A : i32 to vector<128x128xi32>
    %sub3A_32 = arith.subi %div3A_10, %sub3A_31 : vector<128x128xi32>
    %select_n3A = arith.select %and3A, %sub3A_32, %div3A_10 : vector<128x128xi1>, vector<128x128xi32>
    %mul3A = arith.constant 16 : i32
    %mul3A_33 = vector.broadcast %mul3A : i32 to vector<128x128xi32>
    %mul3A_34 = arith.muli %select_n3A, %mul3A_33 : vector<128x128xi32>
    %add3A_35 = arith.constant 15 : i32
    %add3A_36 = vector.broadcast %add3A_35 : i32 to vector<128x128xi32>
    %add3A_37 = arith.addi %mul3A_34, %add3A_36 : vector<128x128xi32>
    %eq3A = arith.cmpi eq, %iota3A, %add3A_37 : vector<128x128xi32>
    %convert_element_type3A = arith.extui %eq3A : vector<128x128xi1> to vector<128x128xi32>
    %convert_element_type3A_38 = arith.sitofp %convert_element_type3A : vector<128x128xi32> to vector<128x128xf32>
    %eq3A_39 = arith.cmpi eq, %iota3A, %mul3A_34 : vector<128x128xi32>
    %convert_element_type3A_40 = arith.extui %eq3A_39 : vector<128x128xi1> to vector<128x128xi32>
    %convert_element_type3A_41 = arith.sitofp %convert_element_type3A_40 : vector<128x128xi32> to vector<128x128xf32>
    %jit3A_42 = arith.constant 16 : i32
    %div3A_43 = vector.broadcast %jit3A_42 : i32 to vector<128x128xi32>
    %div3A_44 = arith.divsi %iota3A, %div3A_43 : vector<128x128xi32>
    %sign3A_45 = arith.constant 0 : i32
    %sign3A_46 = vector.broadcast %sign3A_45 : i32 to vector<128x128xi32>
    %sign3A_47 = arith.cmpi sgt, %iota3A, %sign3A_46 : vector<128x128xi32>
    %sign3A_48 = arith.extui %sign3A_47 : vector<128x128xi1> to vector<128x128xi32>
    %sign3A_49 = arith.constant 0 : i32
    %sign3A_50 = vector.broadcast %sign3A_49 : i32 to vector<128x128xi32>
    %sign3A_51 = arith.cmpi slt, %iota3A, %sign3A_50 : vector<128x128xi32>
    %sign3A_52 = arith.extui %sign3A_51 : vector<128x128xi1> to vector<128x128xi32>
    %sign3A_53 = arith.subi %sign3A_48, %sign3A_52 : vector<128x128xi32>
    %sign3A_54 = arith.constant 0 : i32
    %sign3A_55 = arith.cmpi sgt, %jit3A_42, %sign3A_54 : i32
    %sign3A_56 = arith.extui %sign3A_55 : i1 to i32
    %sign3A_57 = arith.constant 0 : i32
    %sign3A_58 = arith.cmpi slt, %jit3A_42, %sign3A_57 : i32
    %sign3A_59 = arith.extui %sign3A_58 : i1 to i32
    %sign3A_60 = arith.subi %sign3A_56, %sign3A_59 : i32
    %ne3A_61 = vector.broadcast %sign3A_60 : i32 to vector<128x128xi32>
    %ne3A_62 = arith.cmpi ne, %sign3A_53, %ne3A_61 : vector<128x128xi32>
    %rem3A_63 = vector.broadcast %jit3A_42 : i32 to vector<128x128xi32>
    %rem3A_64 = arith.remsi %iota3A, %rem3A_63 : vector<128x128xi32>
    %ne3A_65 = arith.constant 0 : i32
    %ne3A_66 = vector.broadcast %ne3A_65 : i32 to vector<128x128xi32>
    %ne3A_67 = arith.cmpi ne, %rem3A_64, %ne3A_66 : vector<128x128xi32>
    %and3A_68 = arith.andi %ne3A_62, %ne3A_67 : vector<128x128xi1>
    %sub3A_69 = arith.constant 1 : i32
    %sub3A_70 = vector.broadcast %sub3A_69 : i32 to vector<128x128xi32>
    %sub3A_71 = arith.subi %div3A_44, %sub3A_70 : vector<128x128xi32>
    %select_n3A_72 = arith.select %and3A_68, %sub3A_71, %div3A_44 : vector<128x128xi1>, vector<128x128xi32>
    %jit3A_73 = arith.constant 16 : i32
    %div3A_74 = vector.broadcast %jit3A_73 : i32 to vector<128x128xi32>
    %div3A_75 = arith.divsi %iota3A_9, %div3A_74 : vector<128x128xi32>
    %sign3A_76 = arith.constant 0 : i32
    %sign3A_77 = vector.broadcast %sign3A_76 : i32 to vector<128x128xi32>
    %sign3A_78 = arith.cmpi sgt, %iota3A_9, %sign3A_77 : vector<128x128xi32>
    %sign3A_79 = arith.extui %sign3A_78 : vector<128x128xi1> to vector<128x128xi32>
    %sign3A_80 = arith.constant 0 : i32
    %sign3A_81 = vector.broadcast %sign3A_80 : i32 to vector<128x128xi32>
    %sign3A_82 = arith.cmpi slt, %iota3A_9, %sign3A_81 : vector<128x128xi32>
    %sign3A_83 = arith.extui %sign3A_82 : vector<128x128xi1> to vector<128x128xi32>
    %sign3A_84 = arith.subi %sign3A_79, %sign3A_83 : vector<128x128xi32>
    %sign3A_85 = arith.constant 0 : i32
    %sign3A_86 = arith.cmpi sgt, %jit3A_73, %sign3A_85 : i32
    %sign3A_87 = arith.extui %sign3A_86 : i1 to i32
    %sign3A_88 = arith.constant 0 : i32
    %sign3A_89 = arith.cmpi slt, %jit3A_73, %sign3A_88 : i32
    %sign3A_90 = arith.extui %sign3A_89 : i1 to i32
    %sign3A_91 = arith.subi %sign3A_87, %sign3A_90 : i32
    %ne3A_92 = vector.broadcast %sign3A_91 : i32 to vector<128x128xi32>
    %ne3A_93 = arith.cmpi ne, %sign3A_84, %ne3A_92 : vector<128x128xi32>
    %rem3A_94 = vector.broadcast %jit3A_73 : i32 to vector<128x128xi32>
    %rem3A_95 = arith.remsi %iota3A_9, %rem3A_94 : vector<128x128xi32>
    %ne3A_96 = arith.constant 0 : i32
    %ne3A_97 = vector.broadcast %ne3A_96 : i32 to vector<128x128xi32>
    %ne3A_98 = arith.cmpi ne, %rem3A_95, %ne3A_97 : vector<128x128xi32>
    %and3A_99 = arith.andi %ne3A_93, %ne3A_98 : vector<128x128xi1>
    %sub3A_100 = arith.constant 1 : i32
    %sub3A_101 = vector.broadcast %sub3A_100 : i32 to vector<128x128xi32>
    %sub3A_102 = arith.subi %div3A_75, %sub3A_101 : vector<128x128xi32>
    %select_n3A_103 = arith.select %and3A_99, %sub3A_102, %div3A_75 : vector<128x128xi1>, vector<128x128xi32>
    %eq3A_104 = arith.cmpi eq, %select_n3A_72, %select_n3A_103 : vector<128x128xi32>
    %convert_element_type3A_105 = arith.extui %eq3A_104 : vector<128x128xi1> to vector<128x128xi32>
    %convert_element_type3A_106 = arith.sitofp %convert_element_type3A_105 : vector<128x128xi32> to vector<128x128xf32>
    %dot_general3A = arith.constant dense<0.000000e+00> : vector<1264x128xf32>
    %dot_general3A_107 = tpu.matmul %add3A, %convert_element_type3A_38, %dot_general3A {dimension_numbers = #tpu.dot_dimension_numbers<[1], [0], [0], [1], [0, 0, 1, 1], [], []>, transpose_lhs_hint = false} : vector<1264x128xf32>, vector<128x128xf32>, vector<1264x128xf32> -> vector<1264x128xf32>
    %max3A = arith.constant 1.000000e+00 : f32
    %max3A_108 = vector.broadcast %max3A : f32 to vector<1264x128xf32>
    %max3A_109 = arith.maximumf %dot_general3A_107, %max3A_108 : vector<1264x128xf32>
    %div3A_110 = arith.divf %add3A, %max3A_109 : vector<1264x128xf32>
    %get3A_111 = arith.constant 0 : index
    %get3A_112 = arith.constant 0 : index
    %get3A_113 = vector.load %arg1[%get3A_111, %get3A_112] : memref<1264x128xf32, #tpu.memory_space<vmem>>, vector<1264x128xf32>
    %add3A_114 = arith.addf %div3A_110, %get3A_113 : vector<1264x128xf32>
    %iota3A_115 = tpu.iota {dimensions = array<i32: 1>} : vector<1264x128xi32>
    %jit3A_116 = arith.constant 16 : i32
    %eq3A_117 = arith.constant 0 : i32
    %eq3A_118 = arith.cmpi eq, %jit3A_116, %eq3A_117 : i32
    %jit3A_119 = arith.constant 1 : i32
    %select_n3A_120 = arith.select %eq3A_118, %jit3A_119, %jit3A_116 : i32
    %rem3A_121 = vector.broadcast %select_n3A_120 : i32 to vector<1264x128xi32>
    %rem3A_122 = arith.remsi %iota3A_115, %rem3A_121 : vector<1264x128xi32>
    %ne3A_123 = arith.constant 0 : i32
    %ne3A_124 = vector.broadcast %ne3A_123 : i32 to vector<1264x128xi32>
    %ne3A_125 = arith.cmpi ne, %rem3A_122, %ne3A_124 : vector<1264x128xi32>
    %lt3A = arith.constant 0 : i32
    %lt3A_126 = vector.broadcast %lt3A : i32 to vector<1264x128xi32>
    %lt3A_127 = arith.cmpi slt, %rem3A_122, %lt3A_126 : vector<1264x128xi32>
    %lt3A_128 = arith.constant 0 : i32
    %lt3A_129 = arith.cmpi slt, %select_n3A_120, %lt3A_128 : i32
    %ne3A_130 = vector.broadcast %lt3A_129 : i1 to vector<1264x128xi1>
    %ne3A_131 = vector.broadcast %ne3A_130 : vector<1264x128xi1> to vector<1264x128xi1>
    %ne3A_132 = arith.xori %lt3A_127, %ne3A_131 : vector<1264x128xi1>
    %and3A_133 = arith.andi %ne3A_132, %ne3A_125 : vector<1264x128xi1>
    %add3A_134 = vector.broadcast %select_n3A_120 : i32 to vector<1264x128xi32>
    %add3A_135 = arith.addi %rem3A_122, %add3A_134 : vector<1264x128xi32>
    %select_n3A_136 = arith.select %and3A_133, %add3A_135, %rem3A_122 : vector<1264x128xi1>, vector<1264x128xi32>
    %lt3A_137 = arith.constant 9 : i32
    %lt3A_138 = vector.broadcast %lt3A_137 : i32 to vector<1264x128xi32>
    %lt3A_139 = arith.cmpi slt, %select_n3A_136, %lt3A_138 : vector<1264x128xi32>
    %jit3A_140 = arith.constant 0xFF800000 : f32
    %broadcast_in_dim3A = vector.broadcast %jit3A_140 : f32 to vector<1264x128xf32>
    %select_n3A_141 = arith.select %lt3A_139, %add3A_114, %broadcast_in_dim3A : vector<1264x128xi1>, vector<1264x128xf32>
    %roll3A = arith.constant 127 : i32
    %roll3A_142 = tpu.dynamic_rotate %select_n3A_141 by %roll3A dim 1 : vector<1264x128xf32>, i32 -> vector<1264x128xf32>
    %max3A_143 = arith.maximumf %select_n3A_141, %roll3A_142 : vector<1264x128xf32>
    %roll3A_144 = arith.constant 126 : i32
    %roll3A_145 = tpu.dynamic_rotate %max3A_143 by %roll3A_144 dim 1 : vector<1264x128xf32>, i32 -> vector<1264x128xf32>
    %max3A_146 = arith.maximumf %max3A_143, %roll3A_145 : vector<1264x128xf32>
    %roll3A_147 = arith.constant 124 : i32
    %roll3A_148 = tpu.dynamic_rotate %max3A_146 by %roll3A_147 dim 1 : vector<1264x128xf32>, i32 -> vector<1264x128xf32>
    %max3A_149 = arith.maximumf %max3A_146, %roll3A_148 : vector<1264x128xf32>
    %roll3A_150 = arith.constant 120 : i32
    %roll3A_151 = tpu.dynamic_rotate %max3A_149 by %roll3A_150 dim 1 : vector<1264x128xf32>, i32 -> vector<1264x128xf32>
    %max3A_152 = arith.maximumf %max3A_149, %roll3A_151 : vector<1264x128xf32>
    %dot_general3A_153 = arith.constant dense<0.000000e+00> : vector<1264x128xf32>
    %dot_general3A_154 = tpu.matmul %max3A_152, %convert_element_type3A_41, %dot_general3A_153 {dimension_numbers = #tpu.dot_dimension_numbers<[1], [0], [0], [1], [0, 0, 1, 1], [], []>, transpose_lhs_hint = false} : vector<1264x128xf32>, vector<128x128xf32>, vector<1264x128xf32> -> vector<1264x128xf32>
    %sub3A_155 = arith.subf %select_n3A_141, %dot_general3A_154 : vector<1264x128xf32>
    %exp3A = math.exp %sub3A_155 : vector<1264x128xf32>
    %dot_general3A_156 = arith.constant dense<0.000000e+00> : vector<1264x128xf32>
    %dot_general3A_157 = tpu.matmul %exp3A, %convert_element_type3A_106, %dot_general3A_156 {dimension_numbers = #tpu.dot_dimension_numbers<[1], [0], [0], [1], [0, 0, 1, 1], [], []>, transpose_lhs_hint = false} : vector<1264x128xf32>, vector<128x128xf32>, vector<1264x128xf32> -> vector<1264x128xf32>
    %log3A = math.log %dot_general3A_157 : vector<1264x128xf32>
    %add3A_158 = arith.addf %log3A, %dot_general3A_154 : vector<1264x128xf32>
    %sub3A_159 = arith.subf %select_n3A_141, %add3A_158 : vector<1264x128xf32>
    %slice3A = vector.extract_strided_slice %sub3A_159 {offsets = [0, 0], sizes = [1264, 9], strides = [1, 1]} : vector<1264x128xf32> to vector<1264x9xf32>
    %swap3A = arith.constant 0 : index
    %swap3A_160 = arith.constant 0 : index
    %swap3A_161 = vector.load %arg2[%swap3A, %swap3A_160] : memref<10000x9xf32, #tpu.memory_space<vmem>>, vector<1264x9xf32>
    tpu.vector_store %arg2[%swap3A, %swap3A_160], %slice3A {strides = array<i32>} : memref<10000x9xf32, #tpu.memory_space<vmem>>, vector<1264x9xf32>,
    %slice3A_162 = vector.extract_strided_slice %sub3A_159 {offsets = [0, 16], sizes = [1264, 9], strides = [1, 1]} : vector<1264x128xf32> to vector<1264x9xf32>
    %swap3A_163 = arith.constant 1264 : index
    %swap3A_164 = arith.constant 0 : index
    %swap3A_165 = vector.load %arg2[%swap3A_163, %swap3A_164] : memref<10000x9xf32, #tpu.memory_space<vmem>>, vector<1264x9xf32>
    tpu.vector_store %arg2[%swap3A_163, %swap3A_164], %slice3A_162 {strides = array<i32>} : memref<10000x9xf32, #tpu.memory_space<vmem>>, vector<1264x9xf32>,
    %slice3A_166 = vector.extract_strided_slice %sub3A_159 {offsets = [0, 32], sizes = [1264, 9], strides = [1, 1]} : vector<1264x128xf32> to vector<1264x9xf32>
    %swap3A_167 = arith.constant 2528 : index
    %swap3A_168 = arith.constant 0 : index
    %swap3A_169 = vector.load %arg2[%swap3A_167, %swap3A_168] : memref<10000x9xf32, #tpu.memory_space<vmem>>, vector<1264x9xf32>
    tpu.vector_store %arg2[%swap3A_167, %swap3A_168], %slice3A_166 {strides = array<i32>} : memref<10000x9xf32, #tpu.memory_space<vmem>>, vector<1264x9xf32>,
    %slice3A_170 = vector.extract_strided_slice %sub3A_159 {offsets = [0, 48], sizes = [1264, 9], strides = [1, 1]} : vector<1264x128xf32> to vector<1264x9xf32>
    %swap3A_171 = arith.constant 3792 : index
    %swap3A_172 = arith.constant 0 : index
    %swap3A_173 = vector.load %arg2[%swap3A_171, %swap3A_172] : memref<10000x9xf32, #tpu.memory_space<vmem>>, vector<1264x9xf32>
    tpu.vector_store %arg2[%swap3A_171, %swap3A_172], %slice3A_170 {strides = array<i32>} : memref<10000x9xf32, #tpu.memory_space<vmem>>, vector<1264x9xf32>,
    %slice3A_174 = vector.extract_strided_slice %sub3A_159 {offsets = [0, 64], sizes = [1264, 9], strides = [1, 1]} : vector<1264x128xf32> to vector<1264x9xf32>
    %swap3A_175 = arith.constant 5056 : index
    %swap3A_176 = arith.constant 0 : index
    %swap3A_177 = vector.load %arg2[%swap3A_175, %swap3A_176] : memref<10000x9xf32, #tpu.memory_space<vmem>>, vector<1264x9xf32>
    tpu.vector_store %arg2[%swap3A_175, %swap3A_176], %slice3A_174 {strides = array<i32>} : memref<10000x9xf32, #tpu.memory_space<vmem>>, vector<1264x9xf32>,
    %slice3A_178 = vector.extract_strided_slice %sub3A_159 {offsets = [0, 80], sizes = [1264, 9], strides = [1, 1]} : vector<1264x128xf32> to vector<1264x9xf32>
    %swap3A_179 = arith.constant 6320 : index
    %swap3A_180 = arith.constant 0 : index
    %swap3A_181 = vector.load %arg2[%swap3A_179, %swap3A_180] : memref<10000x9xf32, #tpu.memory_space<vmem>>, vector<1264x9xf32>
    tpu.vector_store %arg2[%swap3A_179, %swap3A_180], %slice3A_178 {strides = array<i32>} : memref<10000x9xf32, #tpu.memory_space<vmem>>, vector<1264x9xf32>,
    %slice3A_182 = vector.extract_strided_slice %sub3A_159 {offsets = [0, 96], sizes = [1264, 9], strides = [1, 1]} : vector<1264x128xf32> to vector<1264x9xf32>
    %swap3A_183 = arith.constant 7584 : index
    %swap3A_184 = arith.constant 0 : index
    %swap3A_185 = vector.load %arg2[%swap3A_183, %swap3A_184] : memref<10000x9xf32, #tpu.memory_space<vmem>>, vector<1264x9xf32>
    tpu.vector_store %arg2[%swap3A_183, %swap3A_184], %slice3A_182 {strides = array<i32>} : memref<10000x9xf32, #tpu.memory_space<vmem>>, vector<1264x9xf32>,
    %slice3A_186 = vector.extract_strided_slice %sub3A_159 {offsets = [0, 112], sizes = [1152, 9], strides = [1, 1]} : vector<1264x128xf32> to vector<1152x9xf32>
    %swap3A_187 = arith.constant 8848 : index
    %swap3A_188 = arith.constant 0 : index
    %swap3A_189 = vector.load %arg2[%swap3A_187, %swap3A_188] : memref<10000x9xf32, #tpu.memory_space<vmem>>, vector<1152x9xf32>
    tpu.vector_store %arg2[%swap3A_187, %swap3A_188], %slice3A_186 {strides = array<i32>} : memref<10000x9xf32, #tpu.memory_space<vmem>>, vector<1152x9xf32>,
    return
  }
}

</mosaic_0001>

<sc_bundles>
// kernel: kernel.5.cloned.1.call-start
scs
__scs_entry_jumppad:
0x0: {  	(pc) =	sbr.rel $0x88, $3  }
0x1: {  	(tag) =	ssettag $0x0;
	lr =	simm.s32 $0x1  }
0x2: {  	[smem:$0x3F9C] =	sst lr;
	_ =	strace $0xD0000000  }
0x3: {  	_ = 	snop  }
0x4: {  	_ = 	snop  }
0x5: {  	_ = 	snop  }
0x6: {  	_ = 	snop  }
0x7: {  	_ = 	snop  }
__scs_overlays_trampoline_lowered:
0x8: {  	[smem:$0x3FAB] =	sst s0  }
0x9: {  	[smem:$0x3FAC] =	sst s1  }
0xa: {  	[smem:$0x3FAD] =	sst s2  }
0xb: {  	[smem:$0x3FAE] =	sst s3  }
0xc: {  	[smem:$0x3FAF] =	sst s4  }
0xd: {  	[smem:$0x3FB0] =	sst s5  }
0xe: {  	[smem:$0x3FB1] =	sst s6  }
0xf: {  	[smem:$0x3FB2] =	sst s7  }
0x10: {  	[smem:$0x3FB3] =	sst s8  }
0x11: {  	[smem:$0x3FB4] =	sst s9;
	s0 =	simm.s32 @!p0 $0x0  }
0x12: {  	s1 =	sld [smem:$0x3F9A];
	s0 =	simm.s32 @p0 $0x1  }
0x13: {  	[smem:$0x3FB5] =	sst s0;
	s0 =	simm.s32 @!p1 $0x0  }
0x14: {  	s2 =	sld [smem:$0x3F99];
	s0 =	simm.s32 @p1 $0x1  }
0x15: {  	[smem:$0x3FB6] =	sst s0;
	s0 =	simm.s32 @!p2 $0x0  }
0x16: {  	s3 =	sld [smem:$0x3FDB];
	s0 =	simm.s32 @p2 $0x1  }
0x17: {  	s4 =	simm.s32 $0x1BF5;
	[smem:$0x3FB8] =	sst s0  }
0x18: {  	s0 =	sld [smem:$0x3F9B];
	_ =	swait.ge [sflag:s4], $0x0  }
0x19: {  	s7 =	sld [smem:$0x3F9C]  }
0x1a: {  	s8 =	sadd.s32 $0xFFFFE003, lr  }
0x1b: {  	s9 =	sadd.s32 $0xFFFFFEF7, lr;
	s5 =	simm.s32 $0xFFFFFFFF;
	p2 =	slt.u32 s8, $0xFFFFF086  }
0x1c: {  	p1 =	slt.u32 s9, $0xF7A;
	s5 =	simm.s32 @!p2 $0x0  }
0x1d: {  	s5 =	simm.s32 @p1 $0x1;
	p0 =	seq.s32 s7, s2  }
0x1e: {  	s7 =	smul.u32 @!p0 $0xF7A, s2;
	p2 =	seq.s32 @!p0 s5, $0x0  }
0x1f: {  	s9 =	smul.u32 $0xF7A, s1;
	s8 =	simm.s32 @!p0 $0x1BF5;
	p2 =	por !p2, p0  }
0x20: {  	[sflag:s8] =	ssyncset.s32 @!p0 $0xFFFFF086;
	s6 =	sadd.s32 @!p0 s3, s7;
	s7 =	simm.s32 @!p0 $0x108  }
0x21: {  	s3 =	sadd.s32 s3, s9;
	s6 =	sadd.s32 @!p0 $0x88, s6;
	s7 =	simm.s32 @p2 $0x1082  }
0x22: {  	[simem:s7], [sflag:s8] =	dma.local @!p0 [hbm:s6], $0xF7A  }
0x23: {  	s9 =	sor.u32 $0xD0000000, s2;
	s6 =	simm.s32 $0x108;
	_ =	swait.ge @!p0 [sflag:s8], $0x0  }
0x24: {  	s3 =	sadd.s32 $0x88, s3;
	s6 =	simm.s32 @!p1 $0x1082;
	[sflag:s4] =	ssyncset.s32 $0xFFFFF086  }
0x25: {  	[simem:s6], [sflag:s4] =	dma.local [hbm:s3], $0xF7A  }
0x26: {  	[smem:$0x3F9C] =	sst s1;
	(tag) =	ssettag s2;
	_ =	strace s9  }
0x27: {  	s1 =	sld [smem:$0x3FAC]  }
0x28: {  	s2 =	sld [smem:$0x3FAD]  }
0x29: {  	s4 =	sld [smem:$0x3FAF]  }
0x2a: {  	p0 =	seq.s32 s5, $0x0;
	s5 =	sld [smem:$0x3FB0]  }
0x2b: {  	s6 =	sld [smem:$0x3FB1]  }
0x2c: {  	s7 =	sld [smem:$0x3FB2]  }
0x2d: {  	s3 =	simm.s32 $0x108;
	s8 =	sld [smem:$0x3FB3]  }
0x2e: {  	s3 =	simm.s32 @!p0 $0x1082;
	s9 =	sld [smem:$0x3FB4]  }
0x2f: {  	lr =	sadd.s32 s0, s3;
	s0 =	sld [smem:$0x3FAB]  }
0x30: {  	s3 =	sld [smem:$0x3FAE]  }
0x31: {  	[smem:$0x3FB7] =	sst s10  }
0x32: {  	s10 =	sld [smem:$0x3FB5];
	_ =	sdelay $0x3  }
0x33: {  	p0 =	seq.s32 s10, $0x1;
	s10 =	sld [smem:$0x3FB7];
	_ =	sdelay $0x3  }
0x34: {  	[smem:$0x3FB7] =	sst s10  }
0x35: {  	s10 =	sld [smem:$0x3FB6];
	_ =	sdelay $0x3  }
0x36: {  	p1 =	seq.s32 s10, $0x1;
	s10 =	sld [smem:$0x3FB7];
	_ =	sdelay $0x3  }
0x37: {  	[smem:$0x3FB7] =	sst s10  }
0x38: {  	s10 =	sld [smem:$0x3FB8]  }
0x39: {  	_ = 	snop;
	(pc) =	sbr.ind lr, $3  }
0x3a: {  	_ = 	snop  }
0x3b: {  	_ = 	snop  }
0x3c: {  	p2 =	seq.s32 s10, $0x1;
	s10 =	sld [smem:$0x3FB7]  }
0x3d: {  	_ =	shalt  }
0x3e: {  	_ =	shalt  }
0x3f: {  	_ =	shalt  }
0x40: {  	_ =	shalt  }
0x41: {  	_ =	shalt  }
0x42: {  	_ =	shalt  }
0x43: {  	_ =	shalt  }
0x44: {  	_ =	shalt  }
0x45: {  	_ =	shalt  }
0x46: {  	_ =	shalt  }
0x47: {  	_ =	shalt  }
0x48: {  	_ =	shalt  }
0x49: {  	_ =	shalt  }
0x4a: {  	_ =	shalt  }
0x4b: {  	_ =	shalt  }
0x4c: {  	_ =	shalt  }
0x4d: {  	_ =	shalt  }
0x4e: {  	_ =	shalt  }
0x4f: {  	_ =	shalt  }
0x50: {  	_ =	shalt  }
0x51: {  	_ =	shalt  }
0x52: {  	_ =	shalt  }
0x53: {  	_ =	shalt  }
0x54: {  	_ =	shalt  }
0x55: {  	_ =	shalt  }
0x56: {  	_ =	shalt  }
0x57: {  	_ =	shalt  }
0x58: {  	_ =	shalt  }
0x59: {  	_ =	shalt  }
0x5a: {  	_ =	shalt  }
0x5b: {  	_ =	shalt  }
0x5c: {  	_ =	shalt  }
0x5d: {  	_ =	shalt  }
0x5e: {  	_ =	shalt  }
0x5f: {  	_ =	shalt  }
0x60: {  	_ =	shalt  }
0x61: {  	_ =	shalt  }
0x62: {  	_ =	shalt  }
0x63: {  	_ =	shalt  }
0x64: {  	_ =	shalt  }
0x65: {  	_ =	shalt  }
0x66: {  	_ =	shalt  }
0x67: {  	_ =	shalt  }
0x68: {  	_ =	shalt  }
0x69: {  	_ =	shalt  }
0x6a: {  	_ =	shalt  }
0x6b: {  	_ =	shalt  }
0x6c: {  	_ =	shalt  }
0x6d: {  	_ =	shalt  }
0x6e: {  	_ =	shalt  }
0x6f: {  	_ =	shalt  }
0x70: {  	_ =	shalt  }
0x71: {  	_ =	shalt  }
0x72: {  	_ =	shalt  }
0x73: {  	_ =	shalt  }
0x74: {  	_ =	shalt  }
0x75: {  	_ =	shalt  }
0x76: {  	_ =	shalt  }
0x77: {  	_ =	shalt  }
0x78: {  	_ =	shalt  }
0x79: {  	_ =	shalt  }
0x7a: {  	_ =	shalt  }
0x7b: {  	_ =	shalt  }
0x7c: {  	_ =	shalt  }
0x7d: {  	_ =	shalt  }
0x7e: {  	_ =	shalt  }
0x7f: {  	_ =	shalt  }
0x80: {  	_ =	shalt  }
0x81: {  	_ =	shalt  }
0x82: {  	_ =	shalt  }
0x83: {  	_ =	shalt  }
0x84: {  	_ =	shalt  }
0x85: {  	_ =	shalt  }
0x86: {  	_ =	shalt  }
0x87: {  	_ =	shalt  }
.Lfunc_end0:
.L_simem_size_0:
called_computation_lowered:
.L_overlay_start_0:
0x88: {  	s2 =	sld [smem:$0x3FD9]  }
0x89: {  	s3 =	sld [smem:$0x3FFE];
	_ =	sdelay $0x1  }
0x8a: {  	s1 =	srdreg.scid  }
0x8b: {  	s0 =	sand.u32 $0x1, s1  }
0x8c: {  	s17 =	sshll.u32 s0, $0xA;
	s2 =	sadd.s32 s3, s2  }
0x8d: {  	s2 =	sadd.s32 s2, s17  }
0x8e: {  	[smem:$0x3FC3] =	sst s2  }
0x8f: {  	_ = 	snop  }
0x90: {  	s2 =	sld [smem:$0x3FD0];
	(tm) =	ssettm $0x1  }
0x91: {  	s18 =	sld [smem:$0x3FFB];
	_ =	sdelay $0x3  }
0x92: {  	_ =	strace s18  }
0x93: {  	s3 =	sld [smem:$0x3FFC];
	_ =	sdelay $0x3  }
0x94: {  	_ =	strace s3  }
0x95: {  	s3 =	sld [smem:$0x3FFD];
	_ =	sdelay $0x3  }
0x96: {  	_ =	strace s3  }
0x97: {  	_ =	strace $0x8FFFFFFF  }
0x98: {  	s19 =	sld [smem:$0x3FDB];
	_ =	sdelay $0x1  }
0x99: {  	s4 =	simm.s32 $_scs_section_size  }
0x9a: {  	s5 =	simm.s32 $_size__tile_overlayer_lowered;
	s6 =	simm.s32 $_tile_overlayer_lowered  }
0x9b: {  	s22 =	simm.s32 $0x1BFF;
	s21 =	sshll.u32 s6, $0x1;
	s3 =	sadd.s32 s4, s19  }
0x9c: {  	s7 =	simm.s32 $0x0;
	s20 =	sshll.u32 s5, $0x1;
	s5 =	sadd.s32 s21, s3  }
0x9d: {  	[timem:s7], [sflag:s22] =	dma.local [hbm:s5], s20  }
0x9e: {  	_ =	swait.ge [sflag:s22], s20  }
0x9f: {  	s4 =	ssub.s32 $0x0, s20;
	[sflag:s22] =	ssyncset.done $0x0  }
0xa0: {  	[sflag:s22] =	ssyncadd.s32 s4;
	_ =	sdelay $0x1  }
0xa1: {  	s23 =	simm.s32 $0x1B8B  }
0xa2: {  	_ =	swait.ge [sflag:s23], $0x1  }
0xa3: {  	[sflag:s23] =	ssyncset.done $0x0  }
0xa4: {  	s25 =	simm.s32 $0x1B8E;
	s24 =	sld [smem:$0x3FFE];
	[sflag:s23] =	ssyncadd.s32 $0xFFFFFFFF  }
0xa5: {  	s26 =	simm.s32 $execute0_lowered;
	[smem:$0x3FD2] =	sst s25  }
0xa6: {  	s5 =	sshll.u32 s26, $0x1;
	_ =	strace $0x80000046;
	[dreg:$0x1] =	wrdreg $0xFFFFFFFF  }
0xa7: {  	s28 =	simm.s32 $_size_execute0_lowered;
	s3 =	sadd.s32 s3, s5;
	[dreg:$0x0] =	wrdreg $0x0  }
0xa8: {  	s5 =	sshll.u32 s28, $0x1;
	[dreg:$0x2] =	wrdreg s3  }
0xa9: {  	[dreg:$0x3] =	wrdreg s5  }
0xaa: {  	[dreg:$0x4] =	wrdreg $0xC0  }
0xab: {  	_ =	task [dreg:s7], $0x5FFFF  }
0xac: {  	[dreg:$0x1] =	wrdreg $0xFFFFFFFF  }
0xad: {  	[dreg:$0x0] =	wrdreg $0x60  }
0xae: {  	[dreg:$0x2] =	wrdreg s2  }
0xaf: {  	[dreg:$0x3] =	wrdreg s24  }
0xb0: {  	[dreg:$0x4] =	wrdreg $0x96C00  }
0xb1: {  	[dreg:$0x5] =	wrdreg $0x6F400  }
0xb2: {  	[dreg:$0x6] =	wrdreg $0x9  }
0xb3: {  	_ =	task.clear_ibuf [dreg:s7], $0x7FFFF;
	_ =	strace $0x90000046  }
0xb4: {  	s29 =	simm.s32 $0x9;
	_ =	strace $0x80000048  }
0xb5: {  	_ =	swait.ge [sflag:s29], $0x1  }
0xb6: {  	[sflag:s29] =	ssyncadd.s32 $0xFFFFFFFF  }
0xb7: {  	_ =	strace $0x90000048  }
0xb8: {  	_ =	sfence  }
0xb9: {  	s30 =	sld [smem:$0x0];
	_ =	sdelay $0x2  }
0xba: {  	s31 =	sshll.u32 s1, $0xD;
	s1 =	sshrl.u32 s1, $0x2  }
0xbb: {  	s3 =	sand.u32 $0x4000, s31;
	s1 =	sadd.s32 s1, s30  }
0xbc: {  	s0 =	sor.u32 s3, s0;
	s1 =	sshll.u32 s1, $0x11  }
0xbd: {  	s0 =	sor.u32 s1, s0  }
0xbe: {  	s0 =	sadd.s32 $0x8F2B, s0  }
0xbf: {  	[sflag:s0] =	ssyncadd.remote.s32 $0x1  }
0xc0: {  	_ =	sfence.sel $0xFFFF  }
0xc1: {  	[dreg:$0x0] =	wrdreg $0xFFFFFFFF;
	(pc) =	sbr.abs _section_cstart, $3  }
0xc2: {  	[dreg:$0x1] =	wrdreg $0xFFFFFFFF  }
0xc3: {  	_ =	task.clear_ibuf [dreg:s7], $0x2FFFF;
	_ =	strace $0x9FFFFFFF  }
0xc4: {  	(tm) =	ssettm $0x7FFFFFFF  }
0xc5: {  	_ =	shalt  }
tec
execute0_lowered:
.L_overlay_start_1:
0x0: {  	(tag) =	ssettag $0x1  }
0x1: {  	s1 =	rddreg [dreg:$0x0]  }
0x2: {  	s0 =	srdreg.scid;
	s5 =	rddreg [dreg:$0x1]  }
0x3: {  	s14 =	stileid.u32;
	s2 =	rddreg [dreg:$0x2]  }
0x4: {  	s17 =	simm.s32 $0x1;
	s18 =	simm.s32 $0x2;
	s19 =	simm.s32 $0x3  }
0x5: {  	s20 =	simm.s32 $0x4;
	s21 =	simm.s32 $0x7D;
	s22 =	simm.s32 $0x5000  }
0x6: {  	s24 =	simm.s32 $0x57D0;
	s29 =	simm.s32 $0x6770;
	s30 =	simm.s32 $0x5  }
0x7: {  	s31 =	simm.s32 $0x6;
	s16 =	simm.s32 $0x9;
	s0 =	sand.u32 $0x1, s0  }
0x8: {  	s23 =	simm.s32 $0x0;
	s8 =	smul.u32 $0x2780, s14;
	s3 =	sshll.u32 s0, $0x4  }
0x9: {  	s7 =	smul.u32 $0x27800, s0;
	s0 =	ssub.s32 $0x2, s0;
	s4 =	sor.u32 s14, s3  }
0xa: {  	s3 =	rddreg [dreg:$0x3];
	s9 =	sshrl.u32 s8, $0x3;
	s26 =	sshrl.u32 s0, $0x1  }
0xb: {  	s13 =	sadd.s32 s8, s2;
	s6 =	smul.u32 $0x500, s4;
	s4 =	simm.s32 $0x0  }
0xc: {  	s25 =	sadd.s32 s8, s7;
	s11 =	sadd.s32 s9, s5;
	s0 =	ssub.s32 s0, s26  }
0xd: {  	s15 =	sadd.s32 s8, s3;
	s8 =	sadd.s32 s1, s9;
	s13 =	sshrl.u32 s13, $0x3  }
0xe: {  	s26 =	simm.s32 $0x5FA0;
	s1 =	simm.s32 $0x7;
	[smem:$0x7FF] =	sst s4  }
0xf: {  	s28 =	sadd.s32 $0x14800, s11;
	s15 =	sshrl.u32 s15, $0x3;
	_ =	strace $0x80000047  }
0x10: {  	s10 =	sadd.s32 s6, s5;
	s6 =	sshrl.u32 s25, $0x3;
	[dreg:$0x5] =	wrdreg s28  }
0x11: {  	s12 =	sadd.s32 s6, s5;
	s6 =	sshll.u32 s14, $0x6;
	s9 =	sadd.s32 $0xA800, s10  }
0x12: {  	s10 =	sadd.s32 $0x800, s10;
	s7 =	sor.u32 $0x1C01, s6;
	s11 =	sadd.s32 $0x19800, s12  }
0x13: {  	s12 =	smax.u32 s0, $0x1;
	s14 =	sor.u32 $0x1C02, s6;
	s0 =	simm.s32 $0x8  }
.LBB2_1:
0x14: {  	s5 =	rddreg [dreg:$0x5]  }
0x15: {  	[spmem:s13], [sflag:s7] =	dma.local [hbm:s5], $0x4F0  }
0x16: {  	[spmem:s15], [sflag:s14] =	dma.local [hbm:s8], $0x4F0  }
0x17: {  	[tilespmem:s4], [sflag:$0x3] =	stream.linear.gather [hbm4b:s9+s4], $0x2800, $0x38;
	[tilespmem:$0xBE40] =	vst v63  }
0x18: {  	s25 =	simm.s32 $0x2800  }
0x19: {  	[tilespmem:s25], [sflag:$0x4] =	stream.linear.gather [hbm4b:s10+s4], $0x2800, $0x38;
	[tilespmem:$0xBE40] =	vst v63  }
0x1a: {  	_ =	swait.ge [sflag:s17], $0x4F0  }
0x1b: {  	[sflag:s17] =	ssyncset.done $0x0  }
0x1c: {  	[sflag:s17] =	ssyncadd.s32 $0xFFFFFB10  }
0x1d: {  	_ =	swait.ge [sflag:s18], $0x4F0  }
0x1e: {  	[sflag:s18] =	ssyncset.done $0x0  }
0x1f: {  	[sflag:s18] =	ssyncadd.s32 $0xFFFFFB10  }
0x20: {  	_ =	swait.ge [sflag:s19], $0x2800  }
0x21: {  	[sflag:s19] =	ssyncset.done $0x0  }
0x22: {  	[sflag:s19] =	ssyncadd.s32 $0xFFFFD800  }
0x23: {  	_ =	swait.ge [sflag:s20], $0x2800  }
0x24: {  	[sflag:s20] =	ssyncset.done $0x0  }
0x25: {  	[sflag:s20] =	ssyncadd.s32 $0xFFFFD800  }
0x26: {  	[bflag:$0x0] =	sbarrier.arrive $0xFFFF  }
0x27: {  	[tilespmem:s22], [sflag:$0x1] =	stream.indirect.gather [spmem:s3], $0x10, s4, s21, $0xb8;
	[tilespmem:$0xBE40] =	vst v63  }
0x28: {  	s25 =	simm.s32 $0x80  }
0x29: {  	[tilespmem:s24], [sflag:$0x2] =	stream.indirect.gather [spmem:s3], $0x10, s25, s21, $0xb8;
	[tilespmem:$0xBE40] =	vst v63  }
0x2a: {  	s25 =	simm.s32 $0x100  }
0x2b: {  	[tilespmem:s26], [sflag:$0x3] =	stream.indirect.gather [spmem:s3], $0x10, s25, s21, $0xb8;
	[tilespmem:$0xBE40] =	vst v63  }
0x2c: {  	s25 =	simm.s32 $0x180  }
0x2d: {  	[tilespmem:s29], [sflag:$0x4] =	stream.indirect.gather [spmem:s3], $0x10, s25, s21, $0xb8;
	[tilespmem:$0xBE40] =	vst v63  }
0x2e: {  	_ =	swait.ge [sflag:s17], $0x7D0  }
0x2f: {  	[sflag:s17] =	ssyncset.done $0x0  }
0x30: {  	s25 =	simm.s32 $0x2800;
	[sflag:s17] =	ssyncadd.s32 $0xFFFFF830  }
0x31: {  	[spmem:s2] =	stream.indirect.scatter.add.f32 [tilespmem:s22], [sflag:$0x5], $0x10, s25, s21, $0xb8;
	[tilespmem:$0xBE40] =	vst v63  }
0x32: {  	_ =	swait.ge [sflag:s18], $0x7D0  }
0x33: {  	[sflag:s18] =	ssyncset.done $0x0  }
0x34: {  	s5 =	simm.s32 $0x2880;
	[sflag:s18] =	ssyncadd.s32 $0xFFFFF830  }
0x35: {  	[spmem:s2] =	stream.indirect.scatter.add.f32 [tilespmem:s24], [sflag:$0x6], $0x10, s5, s21, $0xb8;
	[tilespmem:$0xBE40] =	vst v63  }
0x36: {  	_ =	swait.ge [sflag:s19], $0x7D0  }
0x37: {  	[sflag:s19] =	ssyncset.done $0x0  }
0x38: {  	s5 =	simm.s32 $0x2900;
	[sflag:s19] =	ssyncadd.s32 $0xFFFFF830  }
0x39: {  	[spmem:s2] =	stream.indirect.scatter.add.f32 [tilespmem:s26], [sflag:$0x7], $0x10, s5, s21, $0xb8;
	[tilespmem:$0xBE40] =	vst v63  }
0x3a: {  	_ =	swait.ge [sflag:s20], $0x7D0  }
0x3b: {  	[sflag:s20] =	ssyncset.done $0x0  }
0x3c: {  	s5 =	simm.s32 $0x2980;
	[sflag:s20] =	ssyncadd.s32 $0xFFFFF830  }
0x3d: {  	[spmem:s2] =	stream.indirect.scatter.add.f32 [tilespmem:s29], [sflag:$0x8], $0x10, s5, s21, $0xb8;
	[tilespmem:$0xBE40] =	vst v63  }
0x3e: {  	_ =	swait.ge [sflag:s30], $0x7D0  }
0x3f: {  	[sflag:s30] =	ssyncset.done $0x0  }
0x40: {  	s5 =	simm.s32 $0x200;
	[sflag:s30] =	ssyncadd.s32 $0xFFFFF830  }
0x41: {  	[tilespmem:s22], [sflag:$0x1] =	stream.indirect.gather [spmem:s3], $0x10, s5, s21, $0xb8;
	[tilespmem:$0xBE40] =	vst v63  }
0x42: {  	_ =	swait.ge [sflag:s31], $0x7D0  }
0x43: {  	[sflag:s31] =	ssyncset.done $0x0  }
0x44: {  	s5 =	simm.s32 $0x280;
	[sflag:s31] =	ssyncadd.s32 $0xFFFFF830  }
0x45: {  	[tilespmem:s24], [sflag:$0x2] =	stream.indirect.gather [spmem:s3], $0x10, s5, s21, $0xb8;
	[tilespmem:$0xBE40] =	vst v63  }
0x46: {  	_ =	swait.ge [sflag:s1], $0x7D0  }
0x47: {  	[sflag:s1] =	ssyncset.done $0x0  }
0x48: {  	s5 =	simm.s32 $0x300;
	[sflag:s1] =	ssyncadd.s32 $0xFFFFF830  }
0x49: {  	[tilespmem:s26], [sflag:$0x3] =	stream.indirect.gather [spmem:s3], $0x10, s5, s21, $0xb8;
	[tilespmem:$0xBE40] =	vst v63  }
0x4a: {  	_ =	swait.ge [sflag:s0], $0x7D0  }
0x4b: {  	[sflag:s0] =	ssyncset.done $0x0  }
0x4c: {  	s28 =	simm.s32 $0x380;
	s25 =	simm.s32 $0x800;
	[sflag:s0] =	ssyncadd.s32 $0xFFFFF830  }
.LBB2_2:
0x4d: {  	[tilespmem:s29], [sflag:$0x4] =	stream.indirect.gather [spmem:s3], $0x10, s28, s21, $0xb8;
	[tilespmem:$0xBE40] =	vst v63  }
0x4e: {  	s28 =	smov.u32 s25  }
0x4f: {  	p0 =	sne.s32 s25, $0x9000;
	s25 =	sadd.s32 $0x800, s25;
	_ =	swait.ge [sflag:s17], $0x7D0  }
0x50: {  	s28 =	sshra.s32 s28, $0x2;
	[sflag:s17] =	ssyncset.done $0x0  }
0x51: {  	s5 =	sadd.s32 $0x2800, s28;
	[sflag:s17] =	ssyncadd.s32 $0xFFFFF830  }
0x52: {  	[spmem:s2] =	stream.indirect.scatter.add.f32 [tilespmem:s22], [sflag:$0x5], $0x10, s5, s21, $0xb8;
	[tilespmem:$0xBE40] =	vst v63  }
0x53: {  	_ =	swait.ge [sflag:s18], $0x7D0  }
0x54: {  	[sflag:s18] =	ssyncset.done $0x0  }
0x55: {  	s5 =	sadd.s32 $0x2880, s28;
	[sflag:s18] =	ssyncadd.s32 $0xFFFFF830  }
0x56: {  	[spmem:s2] =	stream.indirect.scatter.add.f32 [tilespmem:s24], [sflag:$0x6], $0x10, s5, s21, $0xb8;
	[tilespmem:$0xBE40] =	vst v63  }
0x57: {  	_ =	swait.ge [sflag:s19], $0x7D0  }
0x58: {  	[sflag:s19] =	ssyncset.done $0x0  }
0x59: {  	s5 =	sadd.s32 $0x2900, s28;
	[sflag:s19] =	ssyncadd.s32 $0xFFFFF830  }
0x5a: {  	[spmem:s2] =	stream.indirect.scatter.add.f32 [tilespmem:s26], [sflag:$0x7], $0x10, s5, s21, $0xb8;
	[tilespmem:$0xBE40] =	vst v63  }
0x5b: {  	_ =	swait.ge [sflag:s20], $0x7D0  }
0x5c: {  	[sflag:s20] =	ssyncset.done $0x0  }
0x5d: {  	s5 =	sadd.s32 $0x2980, s28;
	[sflag:s20] =	ssyncadd.s32 $0xFFFFF830  }
0x5e: {  	[spmem:s2] =	stream.indirect.scatter.add.f32 [tilespmem:s29], [sflag:$0x8], $0x10, s5, s21, $0xb8;
	[tilespmem:$0xBE40] =	vst v63  }
0x5f: {  	_ =	swait.ge [sflag:s30], $0x7D0  }
0x60: {  	[sflag:s30] =	ssyncset.done $0x0  }
0x61: {  	s5 =	sadd.s32 $0x200, s28;
	[sflag:s30] =	ssyncadd.s32 $0xFFFFF830  }
0x62: {  	[tilespmem:s22], [sflag:$0x1] =	stream.indirect.gather [spmem:s3], $0x10, s5, s21, $0xb8;
	[tilespmem:$0xBE40] =	vst v63  }
0x63: {  	_ =	swait.ge [sflag:s31], $0x7D0  }
0x64: {  	[sflag:s31] =	ssyncset.done $0x0  }
0x65: {  	s5 =	sadd.s32 $0x280, s28;
	[sflag:s31] =	ssyncadd.s32 $0xFFFFF830  }
0x66: {  	[tilespmem:s24], [sflag:$0x2] =	stream.indirect.gather [spmem:s3], $0x10, s5, s21, $0xb8;
	[tilespmem:$0xBE40] =	vst v63  }
0x67: {  	_ =	swait.ge [sflag:s1], $0x7D0  }
0x68: {  	[sflag:s1] =	ssyncset.done $0x0  }
.Ltmp0:
0x69: {  	s5 =	sadd.s32 $0x300, s28;
	[sflag:s1] =	ssyncadd.s32 $0xFFFFF830;
	(pc) =	sbr.rel @p0 .LBB2_2-.Ltmp0, $4  }
0x6a: {  	[tilespmem:s26], [sflag:$0x3] =	stream.indirect.gather [spmem:s3], $0x10, s5, s21, $0xb8;
	[tilespmem:$0xBE40] =	vst v63  }
0x6b: {  	_ =	swait.ge [sflag:s0], $0x7D0  }
0x6c: {  	[sflag:s0] =	ssyncset.done $0x0  }
0x6d: {  	s28 =	sadd.s32 $0x380, s28;
	[sflag:s0] =	ssyncadd.s32 $0xFFFFF830  }
0x6e: {  	[tilespmem:s29], [sflag:$0x4] =	stream.indirect.gather [spmem:s3], $0x10, s28, s21, $0xb8;
	[tilespmem:$0xBE40] =	vst v63  }
0x6f: {  	_ =	swait.ge [sflag:s17], $0x7D0  }
0x70: {  	[sflag:s17] =	ssyncset.done $0x0  }
0x71: {  	s5 =	simm.s32 $0x4E00;
	[sflag:s17] =	ssyncadd.s32 $0xFFFFF830  }
0x72: {  	[spmem:s2] =	stream.indirect.scatter.add.f32 [tilespmem:s22], [sflag:$0x5], $0x10, s5, s21, $0xb8;
	[tilespmem:$0xBE40] =	vst v63  }
0x73: {  	_ =	swait.ge [sflag:s18], $0x7D0  }
0x74: {  	[sflag:s18] =	ssyncset.done $0x0  }
0x75: {  	s25 =	simm.s32 $0x4E80;
	[sflag:s18] =	ssyncadd.s32 $0xFFFFF830  }
0x76: {  	[spmem:s2] =	stream.indirect.scatter.add.f32 [tilespmem:s24], [sflag:$0x6], $0x10, s25, s21, $0xb8;
	[tilespmem:$0xBE40] =	vst v63  }
0x77: {  	_ =	swait.ge [sflag:s19], $0x7D0  }
0x78: {  	[sflag:s19] =	ssyncset.done $0x0  }
0x79: {  	s28 =	simm.s32 $0x4F00;
	[sflag:s19] =	ssyncadd.s32 $0xFFFFF830  }
0x7a: {  	[spmem:s2] =	stream.indirect.scatter.add.f32 [tilespmem:s26], [sflag:$0x7], $0x10, s28, s21, $0xb8;
	[tilespmem:$0xBE40] =	vst v63  }
0x7b: {  	_ =	swait.ge [sflag:s20], $0x7D0  }
0x7c: {  	[sflag:s20] =	ssyncset.done $0x0  }
0x7d: {  	s25 =	simm.s32 $0x4F80;
	[sflag:s20] =	ssyncadd.s32 $0xFFFFF830  }
0x7e: {  	[spmem:s2] =	stream.indirect.scatter.add.f32 [tilespmem:s29], [sflag:$0x8], $0x10, s25, s21, $0xb8;
	[tilespmem:$0xBE40] =	vst v63  }
0x7f: {  	_ =	swait.ge [sflag:s30], $0x7D0  }
0x80: {  	[sflag:s30] =	ssyncset.done $0x0  }
0x81: {  	[sflag:s30] =	ssyncadd.s32 $0xFFFFF830  }
0x82: {  	_ =	swait.ge [sflag:s31], $0x7D0  }
0x83: {  	[sflag:s31] =	ssyncset.done $0x0  }
0x84: {  	[sflag:s31] =	ssyncadd.s32 $0xFFFFF830  }
0x85: {  	_ =	swait.ge [sflag:s1], $0x7D0  }
0x86: {  	[sflag:s1] =	ssyncset.done $0x0  }
0x87: {  	[sflag:s1] =	ssyncadd.s32 $0xFFFFF830  }
0x88: {  	_ =	swait.ge [sflag:s0], $0x7D0  }
0x89: {  	s23 =	sadd.s32 $0x1, s23;
	[sflag:s0] =	ssyncset.done $0x0  }
0x8a: {  	p0 =	sne.s32 s23, s12;
	[sflag:s0] =	ssyncadd.s32 $0xFFFFF830  }
.Ltmp1:
0x8b: {  	s28 =	sor.u32 $0x1C09, s6;
	[bflag:$0x0] =	sbarrier.arrive $0xFFFF;
	(pc) =	sbr.rel @p0 .LBB2_1-.Ltmp1, $4  }
0x8c: {  	[hbm:s11], [sflag:s28] =	dma.local [spmem:s13], $0x4F0  }
0x8d: {  	_ =	swait.ge [sflag:s16], $0x4F0  }
0x8e: {  	[sflag:s16] =	ssyncset.done $0x0  }
0x8f: {  	[sflag:s16] =	ssyncadd.s32 $0xFFFFFB10  }
0x90: {  	_ =	sfence.sel $0x180000  }
0x91: {  	[bflag:$0x0] =	sbarrier.arrive $0xFFFF  }
0x92: {  	_ =	strace $0x90000047  }
0x93: {  	s0 =	stileid.u32;
	[bflag:$0x2] =	sbarrier.arrive $0xFFFF  }
0x94: {  	p0 =	sne.s32 s0, $0x0;
	s0 =	rddreg [dreg:$0x4]  }
0x95: {  	s0 =	sadd.s32 @!p0 $0x100000, s0  }
0x96: {  	[sflag:s0] =	ssyncadd.tile.s32 @!p0 $0x1;
	_ =	shalt  }
.Lfunc_end2:
_tile_overlayer_lowered:
.L_overlay_start_2:
0x97: {  	(tag) =	ssettag $0x2  }
0x98: {  	s0 =	rddreg [dreg:$0x0];
	s2 =	stileid.u32  }
0x99: {  	s1 =	rddreg [dreg:$0x1];
	p0 =	sne.s32 s2, $0x0  }
0x9a: {  	s3 =	rddreg [dreg:$0x2];
	[bflag:$0x3] =	sbarrier.arrive $0xFFFF;
	s2 =	simm.s32 @!p0 $0x1C09  }
0x9b: {  	[timem:s3], [sflag:s2] =	dma.local @!p0 [hbm:s0], s1  }
0x9c: {  	s0 =	simm.s32 @!p0 $0x9  }
0x9d: {  	_ =	swait.ge @!p0 [sflag:s0], s1  }
0x9e: {  	s1 =	ssub.s32 @!p0 $0x0, s1;
	[sflag:s0] =	ssyncset.done @!p0 $0x0  }
0x9f: {  	[sflag:s0] =	ssyncadd.s32 @!p0 s1  }
0xa0: {  	[bflag:$0x3] =	sbarrier.arrive $0xFFFF  }
0xa1: {  	_ =	shalt  }

</sc_bundles>
